<compile_context>
chip_gen: v7x
topology: tpu7x:2x2x1
jax: 0.10.2.dev20260603
libtpu: 0.0.44.dev20260713+nightly
codegen_flags: <defaults>
</compile_context>

<pallas_src>
import jax
import jax.numpy as jnp
from jax.experimental import pallas as pl
from jax.experimental.pallas import tpu as pltpu
from jax.experimental.pallas import tpu_sc as plsc

_G, _T, _D = 8, 16, 128
_N = 10000
_TT = _G * _T
_INNER_PRUNE = 0.01
_CROSS_PRUNE = 0.1
_B = 1024


def _dense_body(xp_ref, xc_ref, tok_ref, wt_ref, adj_ref, tx_ref):
    i = pl.program_id(0)
    xp = xp_ref[...]
    xc = xc_ref[...]
    tok = tok_ref[...]
    wt = wt_ref[...]

    rows = jnp.concatenate([xp[_B - _T:], xc[:_B - _T]], axis=0)

    logits = jax.lax.dot_general(wt, rows, (((1,), (1,)), ((), ())),
                                 preferred_element_type=jnp.float32)
    best = jnp.full((1, _B), -jnp.inf, dtype=jnp.float32)
    route = jnp.zeros((1, _B), dtype=jnp.int32)
    for g in range(_G):
        lg = logits[g:g + 1, :]
        upd = lg > best
        best = jnp.where(upd, lg, best)
        route = jnp.where(upd, g, route)

    dots = jax.lax.dot_general(tok, rows, (((1,), (1,)), ((), ())),
                               preferred_element_type=jnp.float32)
    sim = jax.nn.sigmoid(dots)
    pruned = jnp.where(sim < _CROSS_PRUNE, 0.0, sim)
    gidx = jax.lax.broadcasted_iota(jnp.int32, (_TT, 1), 0) // _T
    adj_ref[...] = jnp.where(gidx == route, pruned, 0.0)

    @pl.when(i == 0)
    def _():
        gram = jax.lax.dot_general(tok, tok, (((1,), (1,)), ((), ())),
                                   preferred_element_type=jnp.float32)
        gsim = jax.nn.sigmoid(gram)
        gpruned = jnp.where(gsim < _INNER_PRUNE, 0.0, gsim)
        for g in range(_G):
            adj_ref[g * _T:(g + 1) * _T, 0:_T] = (
                gpruned[g * _T:(g + 1) * _T, g * _T:(g + 1) * _T])

    top = jnp.where(i == 0, tok, xp[_B - _TT:])
    tx_ref[...] = jnp.concatenate([top, xc[:_B - _TT]], axis=0)


def _dense_call(x, tok, wt, interpret=False):
    nblk = (_T + _N + _B - 1) // _B
    return pl.pallas_call(
        _dense_body,
        grid=(nblk,),
        in_specs=[
            pl.BlockSpec((_B, _D), lambda i: (jnp.where(i == 0, 0, i - 1), 0)),
            pl.BlockSpec((_B, _D), lambda i: (i, 0)),
            pl.BlockSpec((_TT, _D), lambda i: (0, 0)),
            pl.BlockSpec((_G, _D), lambda i: (0, 0)),
        ],
        out_specs=[
            pl.BlockSpec((_TT, _B), lambda i: (0, i)),
            pl.BlockSpec((_B, _D), lambda i: (i, 0)),
        ],
        out_shape=[
            jax.ShapeDtypeStruct((_TT, _T + _N), jnp.float32),
            jax.ShapeDtypeStruct((_TT + _N, _D), jnp.float32),
        ],
        interpret=interpret,
    )(x, x, tok, wt)


_SC_BLK = 5120


def _edge_shift(edge_index):
    flat = edge_index.reshape(-1)
    mesh = plsc.VectorSubcoreMesh(core_axis_name="c", subcore_axis_name="s")

    @pl.kernel(out_type=jax.ShapeDtypeStruct(flat.shape, flat.dtype),
               mesh=mesh)
    def _shift_kernel(in_hbm, out_hbm):
        def body(in_vmem, out_vmem):
            @plsc.parallel_loop(0, _SC_BLK, step=16, unroll=8)
            def _chunk(c):
                out_vmem.at[pl.ds(c, 16)][...] = (
                    in_vmem.at[pl.ds(c, 16)][...] + _TT)

        pltpu.emit_pipeline(
            body,
            grid=(flat.shape[0] // _SC_BLK,),
            in_specs=[pl.BlockSpec((_SC_BLK,), lambda i: (i,))],
            out_specs=[pl.BlockSpec((_SC_BLK,), lambda i: (i,))],
            core_axis_name=("c", "s"),
            dimension_semantics=(pltpu.PARALLEL,),
        )(in_hbm, out_hbm)

    return _shift_kernel(flat).reshape(edge_index.shape)


def kernel(x, tokens, pseudo_W, edge_index):
    tok = tokens.reshape(_TT, _D)
    wt = pseudo_W.T
    g_edge_index = _edge_shift(edge_index)
    adj2d, total_x = _dense_call(x, tok, wt)
    adj = adj2d.reshape(_G, _T, _T + _N)
    return adj, total_x, g_edge_index

# --- scband reference (transcript-rebuilt; emitter-appended) ---
"""Pipeline reference for scband-robust-prompt-i-49478023250329 (READ-ONLY COPY).

The authoritative reference and input builder live on the scoring server;
editing this copy changes nothing except your own understanding.
"""

import jax, jax.numpy as jnp
import numpy as np

G, T, D = 8, 16, 128
N, E = 10000, 320000
INNER_PRUNE = 0.01
CROSS_PRUNE = 0.1


def setup_inputs(seed: int = 0) -> dict:
    key = jax.random.key(seed)
    k1, k2, k3, k4 = jax.random.split(key, 4)
    x = jax.random.normal(k1, (N, D), dtype=jnp.float32)
    # learned prompt tokens: ParameterList of num_prompt_graph tensors [T, D], kaiming_uniform-ish scale
    bound = float(np.sqrt(6.0 / D))
    tokens = jax.random.uniform(k2, (G, T, D), dtype=jnp.float32, minval=-bound, maxval=bound)
    # pseudo_model treated as a linear classifier d_feat -> num_prompt_graph
    pseudo_W = jax.random.normal(k3, (D, G), dtype=jnp.float32) * 0.05
    edge_index = jax.random.randint(k4, (2, E), 0, N).astype(jnp.int64)
    return {"x": x, "tokens": tokens, "pseudo_W": pseudo_W, "edge_index": edge_index}


def reference(x, tokens, pseudo_W, edge_index):
    total_token_num = G * T
    # cluster_y_pred = argmax(pseudo_model(g.x), dim=1)  -- top-1 routing of nodes to prompt groups
    cluster_y_pred = jnp.argmax(x @ pseudo_W, axis=1)  # [N]
    # inner structure per prompt group (LightPrompt.token_view): sigmoid(tok @ tok^T) pruned by inner_prune
    token_dot = jnp.einsum('gtd,gsd->gts', tokens, tokens)
    token_sim = jax.nn.sigmoid(token_dot)
    inner_adj = jnp.where(token_sim < INNER_PRUNE, 0.0, token_sim)  # [G, T, T]
    # cross structure: for each group g, sigmoid(tokens_g @ x[nodes routed to g]^T) pruned by cross_prune
    cross_dot = jnp.einsum('gtd,nd->gtn', tokens, x)
    cross_sim = jax.nn.sigmoid(cross_dot)
    cross_adj = jnp.where(cross_sim < CROSS_PRUNE, 0.0, cross_sim)  # [G, T, N]
    group_mask = (cluster_y_pred[None, :] == jnp.arange(G)[:, None]).astype(x.dtype)  # [G, N]
    cross_adj = cross_adj * group_mask[:, None, :]
    # dense analogue of the concatenated (inner | cross) edge structure
    adj = jnp.concatenate([inner_adj, cross_adj], axis=2)  # [G, T, T + N]
    # total_x = cat(all prompt group tokens, g.x)
    total_x = jnp.concatenate([tokens.reshape(G * T, D), x], axis=0)  # [G*T + N, D]
    # g_edge_index = g.edge_index + total_token_num
    g_edge_index = edge_index + total_token_num
    return adj, total_x, g_edge_index

if __name__ == "__main__":
    import jax
    _d = setup_inputs()
    print(jax.jit(kernel)(*tuple(_d.values())))

</pallas_src>

<mosaic_0001>
#map = affine_map<(d0, d1) -> (0)>
module attributes {stable_mosaic.version = 14 : i64} {
  func.func @_shift_kernel(%arg0: i32, %arg1: i32, %arg2: memref<640000xi32, #tpu.memory_space<hbm>>, %arg3: memref<640000xi32, #tpu.memory_space<hbm>>) attributes {dimension_semantics = [#tpu.dimension_semantics<core_parallel>, #tpu.dimension_semantics<subcore_parallel>], iteration_bounds = array<i64: 2, 16>, scalar_prefetch = 0 : i64, scratch_operands = 0 : i64, tpu.core_type = #tpu.core_type<sc_vector_subcore>, window_params = [{transform_indices = #map}, {transform_indices = #map}]} {
    %mul3A = arith.constant 1 : i32
    %mul3A_0 = arith.muli %arg1, %mul3A : i32
    %add3A = arith.constant 0 : i32
    %add3A_1 = arith.addi %add3A, %mul3A_0 : i32
    %mul3A_2 = arith.constant 16 : i32
    %mul3A_3 = arith.muli %arg0, %mul3A_2 : i32
    %add3A_4 = arith.addi %add3A_1, %mul3A_3 : i32
    %lt3A = arith.constant 29 : i32
    %lt3A_5 = arith.cmpi slt, %add3A_4, %lt3A : i32
    %jit3A = arith.constant 4 : i32
    %jit3A_6 = arith.constant 3 : i32
    %select_n3A = arith.select %lt3A_5, %jit3A, %jit3A_6 : i32
    %lt3A_7 = arith.constant 29 : i32
    %lt3A_8 = arith.cmpi slt, %add3A_4, %lt3A_7 : i32
    %mul3A_9 = arith.muli %add3A_4, %select_n3A : i32
    %mul3A_10 = arith.constant 3 : i32
    %mul3A_11 = arith.muli %add3A_4, %mul3A_10 : i32
    %add3A_12 = arith.constant 29 : i32
    %add3A_13 = arith.addi %mul3A_11, %add3A_12 : i32
    %select_n3A_14 = arith.select %lt3A_8, %mul3A_9, %add3A_13 : i32
    %mul3A_15 = arith.constant 1 : i32
    %mul3A_16 = arith.muli %mul3A_15, %select_n3A : i32
    "tpu.region"() ({
      %run_scoped3A = memref.alloca() : memref<10240xi32, #tpu.memory_space<vmem>>
      %run_scoped3A_17 = tpu.sem_alloc : memref<2x!tpu.dma_semaphore, #tpu.memory_space<semaphore_mem>>
      %run_scoped3A_18 = memref.alloca() : memref<10240xi32, #tpu.memory_space<vmem>>
      %run_scoped3A_19 = tpu.sem_alloc : memref<2x!tpu.dma_semaphore, #tpu.memory_space<semaphore_mem>>
      %gt3A = arith.constant 0 : i32
      %gt3A_20 = arith.cmpi sgt, %mul3A_16, %gt3A : i32
      %convert_element_type3A = arith.extui %gt3A_20 : i1 to i32
      %cond3A = arith.constant 0 : i32
      %cond3A_21 = arith.cmpi ne, %convert_element_type3A, %cond3A : i32
      scf.if %cond3A_21 {
        %mul3A_22 = arith.constant 1 : i32
        %mul3A_23 = arith.muli %mul3A_22, %select_n3A : i32
        %sub3A = arith.constant 1 : i32
        %sub3A_24 = arith.subi %mul3A_23, %sub3A : i32
        %eq3A = arith.constant 0 : i32
        %eq3A_25 = arith.cmpi eq, %sub3A_24, %eq3A : i32
        %add3A_26 = arith.constant 0 : i32
        %add3A_27 = arith.addi %add3A_26, %select_n3A_14 : i32
        %select_n3A_28 = arith.constant true
        %select_n3A_29 = arith.constant 0 : i32
        %select_n3A_30 = arith.constant -1 : i32
        %select_n3A_31 = arith.select %select_n3A_28, %select_n3A_30, %select_n3A_29 : i32
        %eq3A_32 = arith.constant -1 : i32
        %eq3A_33 = arith.cmpi eq, %select_n3A_31, %eq3A_32 : i32
        %sub3A_34 = arith.constant 1 : i32
        %sub3A_35 = arith.subi %select_n3A, %sub3A_34 : i32
        %select_n3A_36 = arith.select %eq3A_33, %sub3A_35, %select_n3A_31 : i32
        %add3A_37 = arith.addi %select_n3A_36, %select_n3A_14 : i32
        %select_n3A_38 = arith.constant true
        %select_n3A_39 = arith.constant 0 : i32
        %select_n3A_40 = arith.constant 1 : i32
        %select_n3A_41 = arith.select %select_n3A_38, %select_n3A_40, %select_n3A_39 : i32
        %eq3A_42 = arith.cmpi eq, %select_n3A_41, %select_n3A : i32
        %select_n3A_43 = arith.constant 0 : i32
        %select_n3A_44 = arith.select %eq3A_42, %select_n3A_43, %select_n3A_41 : i32
        %add3A_45 = arith.addi %select_n3A_44, %select_n3A_14 : i32
        %add3A_46 = arith.constant 1 : i32
        %add3A_47 = arith.addi %select_n3A_44, %add3A_46 : i32
        %select_n3A_48 = arith.constant true
        %select_n3A_49 = arith.select %select_n3A_48, %add3A_47, %select_n3A_44 : i32
        %eq3A_50 = arith.cmpi eq, %select_n3A_49, %select_n3A : i32
        %select_n3A_51 = arith.constant 0 : i32
        %select_n3A_52 = arith.select %eq3A_50, %select_n3A_51, %select_n3A_49 : i32
        %add3A_53 = arith.addi %select_n3A_52, %select_n3A_14 : i32
        "tpu.trace_start"() <{level = 10 : i32, message = "ep_initialize_0"}> : () -> ()
        %rem3A = arith.constant 0 : i32
        %rem3A_54 = arith.constant 2 : i32
        %rem3A_55 = arith.remui %rem3A, %rem3A_54 : i32
        %mul3A_56 = arith.constant 5120 : i32
        %mul3A_57 = arith.muli %mul3A_56, %add3A_27 : i32
        %mul3A_58 = arith.constant 5120 : i32
        %mul3A_59 = arith.muli %rem3A_55, %mul3A_58 : i32
        %add3A_60 = arith.constant 0 : i32
        %add3A_61 = arith.addi %mul3A_59, %add3A_60 : i32
        %dma_start3A = tpu.memref_slice %run_scoped3A[%add3A_61] : memref<10240xi32, #tpu.memory_space<vmem>> -> memref<5120xi32, #tpu.memory_space<vmem>>
        %dma_start3A_62 = tpu.memref_slice %arg2[%mul3A_57] : memref<640000xi32, #tpu.memory_space<hbm>> -> memref<5120xi32, #tpu.memory_space<hbm>>
        %dma_start3A_63 = tpu.memref_slice %run_scoped3A_17[%rem3A_55] : memref<2x!tpu.dma_semaphore, #tpu.memory_space<semaphore_mem>> -> memref<1x!tpu.dma_semaphore, #tpu.memory_space<semaphore_mem>>
        %dma_start3A_64 = tpu.memref_squeeze %dma_start3A_63 : memref<1x!tpu.dma_semaphore, #tpu.memory_space<semaphore_mem>> -> memref<!tpu.dma_semaphore, #tpu.memory_space<semaphore_mem>>
        %dma_start3A_65 = tpu.memref_slice %run_scoped3A[%add3A_61] : memref<10240xi32, #tpu.memory_space<vmem>> -> memref<5120xi32, #tpu.memory_space<vmem>>
        %dma_start3A_66 = tpu.memref_slice %arg2[%mul3A_57] : memref<640000xi32, #tpu.memory_space<hbm>> -> memref<5120xi32, #tpu.memory_space<hbm>>
        tpu.enqueue_dma source(%dma_start3A_66 : memref<5120xi32, #tpu.memory_space<hbm>>) target(%dma_start3A_65 : memref<5120xi32, #tpu.memory_space<vmem>>) target_semaphore(%dma_start3A_64 : memref<!tpu.dma_semaphore, #tpu.memory_space<semaphore_mem>>)
        %add3A_67 = arith.constant 0 : i32
        %add3A_68 = arith.constant 1 : i32
        %add3A_69 = arith.addi %add3A_67, %add3A_68 : i32
        %select_n3A_70 = arith.constant true
        %select_n3A_71 = arith.constant 0 : i32
        %select_n3A_72 = arith.select %select_n3A_70, %add3A_69, %select_n3A_71 : i32
        %while3A = arith.constant 0 : i32
        %while3A_73 = arith.constant 0 : i32
        %while3A_74 = arith.constant 0 : i32
        %while3A_75 = arith.constant 0 : i32
        %while3A_76 = arith.constant 0 : i32
        "tpu.trace_stop"() : () -> ()
        %while3A_77 = arith.subi %mul3A_16, %while3A : i32
        %while3A_78 = arith.addi %while3A, %while3A_77 : i32
        %while3A_79 = arith.constant 1 : i32
        %while3A_80 = arith.divsi %while3A_77, %while3A_79 : i32
        %while3A_81 = arith.muli %while3A_80, %while3A_79 : i32
        %while3A_82 = arith.addi %while3A, %while3A_81 : i32
        %while3A_83 = arith.constant 1 : i32
        %while3A_84:5 = scf.for %while3A_138 = %while3A to %while3A_82 step %while3A_83 iter_args(%while3A_139 = %select_n3A_72, %while3A_140 = %while3A_73, %while3A_141 = %while3A_74, %while3A_142 = %while3A_75, %while3A_143 = %while3A_76) -> (i32, i32, i32, i32, i32)  : i32 {
          %mul3A_144 = arith.constant 1 : i32
          %mul3A_145 = arith.muli %mul3A_144, %select_n3A : i32
          %eq3A_146 = arith.constant 0 : i32
          %eq3A_147 = arith.cmpi eq, %while3A_138, %eq3A_146 : i32
          %sub3A_148 = arith.constant 1 : i32
          %sub3A_149 = arith.subi %mul3A_145, %sub3A_148 : i32
          %eq3A_150 = arith.cmpi eq, %while3A_138, %sub3A_149 : i32
          %add3A_151 = arith.addi %while3A_143, %select_n3A_14 : i32
          %sub3A_152 = arith.constant 1 : i32
          %sub3A_153 = arith.subi %while3A_143, %sub3A_152 : i32
          %select_n3A_154 = arith.constant true
          %select_n3A_155 = arith.select %select_n3A_154, %sub3A_153, %while3A_143 : i32
          %eq3A_156 = arith.constant -1 : i32
          %eq3A_157 = arith.cmpi eq, %select_n3A_155, %eq3A_156 : i32
          %sub3A_158 = arith.constant 1 : i32
          %sub3A_159 = arith.subi %select_n3A, %sub3A_158 : i32
          %select_n3A_160 = arith.select %eq3A_157, %sub3A_159, %select_n3A_155 : i32
          %add3A_161 = arith.addi %select_n3A_160, %select_n3A_14 : i32
          %add3A_162 = arith.constant 1 : i32
          %add3A_163 = arith.addi %while3A_143, %add3A_162 : i32
          %select_n3A_164 = arith.constant true
          %select_n3A_165 = arith.select %select_n3A_164, %add3A_163, %while3A_143 : i32
          %eq3A_166 = arith.cmpi eq, %select_n3A_165, %select_n3A : i32
          %select_n3A_167 = arith.constant 0 : i32
          %select_n3A_168 = arith.select %eq3A_166, %select_n3A_167, %select_n3A_165 : i32
          %add3A_169 = arith.addi %select_n3A_168, %select_n3A_14 : i32
          %add3A_170 = arith.constant 1 : i32
          %add3A_171 = arith.addi %select_n3A_168, %add3A_170 : i32
          %select_n3A_172 = arith.constant true
          %select_n3A_173 = arith.select %select_n3A_172, %add3A_171, %select_n3A_168 : i32
          %eq3A_174 = arith.cmpi eq, %select_n3A_173, %select_n3A : i32
          %select_n3A_175 = arith.constant 0 : i32
          %select_n3A_176 = arith.select %eq3A_174, %select_n3A_175, %select_n3A_173 : i32
          %add3A_177 = arith.addi %select_n3A_176, %select_n3A_14 : i32
          %ne3A = arith.cmpi ne, %add3A_151, %add3A_169 : i32
          %or3A = arith.constant false
          %or3A_178 = arith.ori %or3A, %ne3A : i1
          %sub3A_179 = arith.constant 2 : i32
          %sub3A_180 = arith.subi %mul3A_145, %sub3A_179 : i32
          %add3A_181 = arith.constant 1 : i32
          %add3A_182 = arith.addi %sub3A_180, %add3A_181 : i32
          %ge3A = arith.cmpi sge, %while3A_138, %add3A_182 : i32
          %not3A = arith.constant true
          %not3A_183 = arith.xori %ge3A, %not3A : i1
          %and3A = arith.andi %or3A_178, %not3A_183 : i1
          %convert_element_type3A_184 = arith.extui %and3A : i1 to i32
          %cond3A_185 = arith.constant 0 : i32
          %cond3A_186 = arith.cmpi ne, %convert_element_type3A_184, %cond3A_185 : i32
          scf.if %cond3A_186 {
            "tpu.trace_start"() <{level = 10 : i32, message = "ep_copy_in"}> : () -> ()
            %rem3A_287 = arith.constant 2 : i32
            %rem3A_288 = arith.remui %while3A_139, %rem3A_287 : i32
            %mul3A_289 = arith.constant 5120 : i32
            %mul3A_290 = arith.muli %mul3A_289, %add3A_169 : i32
            %mul3A_291 = arith.constant 5120 : i32
            %mul3A_292 = arith.muli %rem3A_288, %mul3A_291 : i32
            %add3A_293 = arith.constant 0 : i32
            %add3A_294 = arith.addi %mul3A_292, %add3A_293 : i32
            %dma_start3A_295 = tpu.memref_slice %run_scoped3A[%add3A_294] : memref<10240xi32, #tpu.memory_space<vmem>> -> memref<5120xi32, #tpu.memory_space<vmem>>
            %dma_start3A_296 = tpu.memref_slice %arg2[%mul3A_290] : memref<640000xi32, #tpu.memory_space<hbm>> -> memref<5120xi32, #tpu.memory_space<hbm>>
            %dma_start3A_297 = tpu.memref_slice %run_scoped3A_17[%rem3A_288] : memref<2x!tpu.dma_semaphore, #tpu.memory_space<semaphore_mem>> -> memref<1x!tpu.dma_semaphore, #tpu.memory_space<semaphore_mem>>
            %dma_start3A_298 = tpu.memref_squeeze %dma_start3A_297 : memref<1x!tpu.dma_semaphore, #tpu.memory_space<semaphore_mem>> -> memref<!tpu.dma_semaphore, #tpu.memory_space<semaphore_mem>>
            %dma_start3A_299 = tpu.memref_slice %run_scoped3A[%add3A_294] : memref<10240xi32, #tpu.memory_space<vmem>> -> memref<5120xi32, #tpu.memory_space<vmem>>
            %dma_start3A_300 = tpu.memref_slice %arg2[%mul3A_290] : memref<640000xi32, #tpu.memory_space<hbm>> -> memref<5120xi32, #tpu.memory_space<hbm>>
            tpu.enqueue_dma source(%dma_start3A_300 : memref<5120xi32, #tpu.memory_space<hbm>>) target(%dma_start3A_299 : memref<5120xi32, #tpu.memory_space<vmem>>) target_semaphore(%dma_start3A_298 : memref<!tpu.dma_semaphore, #tpu.memory_space<semaphore_mem>>)
            "tpu.trace_stop"() : () -> ()
          } else {
          }
          %and3A_187 = arith.constant true
          %and3A_188 = arith.andi %and3A, %and3A_187 : i1
          %add3A_189 = arith.constant 1 : i32
          %add3A_190 = arith.addi %while3A_139, %add3A_189 : i32
          %select_n3A_191 = arith.select %and3A_188, %add3A_190, %while3A_139 : i32
          %ne3A_192 = arith.cmpi ne, %add3A_151, %add3A_169 : i32
          %or3A_193 = arith.constant false
          %or3A_194 = arith.ori %or3A_193, %ne3A_192 : i1
          %sub3A_195 = arith.constant 2 : i32
          %sub3A_196 = arith.subi %mul3A_145, %sub3A_195 : i32
          %add3A_197 = arith.constant 1 : i32
          %add3A_198 = arith.addi %sub3A_196, %add3A_197 : i32
          %ge3A_199 = arith.cmpi sge, %while3A_138, %add3A_198 : i32
          %not3A_200 = arith.constant true
          %not3A_201 = arith.xori %ge3A_199, %not3A_200 : i1
          %and3A_202 = arith.andi %or3A_194, %not3A_201 : i1
          %ne3A_203 = arith.cmpi ne, %add3A_151, %add3A_161 : i32
          %or3A_204 = arith.constant false
          %or3A_205 = arith.ori %or3A_204, %ne3A_203 : i1
          %or3A_206 = arith.ori %or3A_205, %eq3A_147 : i1
          %convert_element_type3A_207 = arith.extui %or3A_206 : i1 to i32
          %cond3A_208 = arith.constant 0 : i32
          %cond3A_209 = arith.cmpi ne, %convert_element_type3A_207, %cond3A_208 : i32
          scf.if %cond3A_209 {
            "tpu.trace_start"() <{level = 10 : i32, message = "ep_wait_in"}> : () -> ()
            %mul3A_287 = arith.constant 5120 : i32
            %mul3A_288 = arith.muli %mul3A_287, %add3A_151 : i32
            %rem3A_289 = arith.constant 2 : i32
            %rem3A_290 = arith.remui %while3A_140, %rem3A_289 : i32
            %mul3A_291 = arith.constant 5120 : i32
            %mul3A_292 = arith.muli %rem3A_290, %mul3A_291 : i32
            %add3A_293 = arith.constant 0 : i32
            %add3A_294 = arith.addi %mul3A_292, %add3A_293 : i32
            %dma_wait3A = tpu.memref_slice %run_scoped3A[%add3A_294] : memref<10240xi32, #tpu.memory_space<vmem>> -> memref<5120xi32, #tpu.memory_space<vmem>>
            %dma_wait3A_295 = tpu.memref_slice %arg2[%mul3A_288] : memref<640000xi32, #tpu.memory_space<hbm>> -> memref<5120xi32, #tpu.memory_space<hbm>>
            %dma_wait3A_296 = tpu.memref_slice %run_scoped3A_17[%rem3A_290] : memref<2x!tpu.dma_semaphore, #tpu.memory_space<semaphore_mem>> -> memref<1x!tpu.dma_semaphore, #tpu.memory_space<semaphore_mem>>
            %dma_wait3A_297 = tpu.memref_squeeze %dma_wait3A_296 : memref<1x!tpu.dma_semaphore, #tpu.memory_space<semaphore_mem>> -> memref<!tpu.dma_semaphore, #tpu.memory_space<semaphore_mem>>
            %dma_wait3A_298 = tpu.memref_slice %run_scoped3A[%add3A_294] : memref<10240xi32, #tpu.memory_space<vmem>> -> memref<5120xi32, #tpu.memory_space<vmem>>
            %dma_wait3A_299 = tpu.memref_slice %arg2[%mul3A_288] : memref<640000xi32, #tpu.memory_space<hbm>> -> memref<5120xi32, #tpu.memory_space<hbm>>
            tpu.wait_dma2 semaphore(%dma_wait3A_297 : memref<!tpu.dma_semaphore, #tpu.memory_space<semaphore_mem>>) src(%dma_wait3A_299 : memref<5120xi32, #tpu.memory_space<hbm>>) dst(%dma_wait3A_298 : memref<5120xi32, #tpu.memory_space<vmem>>)
            "tpu.trace_stop"() : () -> ()
          } else {
          }
          %ne3A_210 = arith.cmpi ne, %add3A_151, %add3A_161 : i32
          %or3A_211 = arith.constant false
          %or3A_212 = arith.ori %or3A_211, %ne3A_210 : i1
          %or3A_213 = arith.ori %or3A_212, %eq3A_147 : i1
          %convert_element_type3A_214 = arith.extui %or3A_213 : i1 to i32
          %cond3A_215 = arith.constant 0 : i32
          %cond3A_216 = arith.cmpi ne, %convert_element_type3A_214, %cond3A_215 : i32
          scf.if %cond3A_216 {
          } else {
          }
          %rem3A_217 = arith.constant 2 : i32
          %rem3A_218 = arith.remui %while3A_140, %rem3A_217 : i32
          %mul3A_219 = arith.constant 5120 : i32
          %mul3A_220 = arith.muli %rem3A_218, %mul3A_219 : i32
          %rem3A_221 = arith.constant 2 : i32
          %rem3A_222 = arith.remui %while3A_141, %rem3A_221 : i32
          %mul3A_223 = arith.constant 5120 : i32
          %mul3A_224 = arith.muli %rem3A_222, %mul3A_223 : i32
          %parallel_loop3A = arith.constant 0 : i32
          %parallel_loop3A_225 = arith.constant 5120 : i32
          %parallel_loop3A_226 = arith.constant 16 : i32
          "tpu.trace_start"() <{level = 10 : i32, message = "ep_run_kernel"}> : () -> ()
          scf.for %parallel_loop3A_287 = %parallel_loop3A to %parallel_loop3A_225 step %parallel_loop3A_226  : i32 {
            %parallel_loop3A_288 = tpu.memref_slice %run_scoped3A[%mul3A_220] : memref<10240xi32, #tpu.memory_space<vmem>> -> memref<5120xi32, #tpu.memory_space<vmem>>
            %parallel_loop3A_289 = arith.index_cast %parallel_loop3A_287 : i32 to index
            %parallel_loop3A_290 = tpu.vector_load %parallel_loop3A_288[%parallel_loop3A_289] {strides = array<i32>} : memref<5120xi32, #tpu.memory_space<vmem>>, vector<16xi32>,
            %parallel_loop3A_291 = vector.shape_cast %parallel_loop3A_290 : vector<16xi32> to vector<16xi32>
            %parallel_loop3A_292 = arith.constant 128 : i32
            %parallel_loop3A_293 = vector.broadcast %parallel_loop3A_292 : i32 to vector<16xi32>
            %parallel_loop3A_294 = arith.addi %parallel_loop3A_291, %parallel_loop3A_293 : vector<16xi32>
            %parallel_loop3A_295 = tpu.memref_slice %run_scoped3A_18[%mul3A_224] : memref<10240xi32, #tpu.memory_space<vmem>> -> memref<5120xi32, #tpu.memory_space<vmem>>
            %parallel_loop3A_296 = arith.index_cast %parallel_loop3A_287 : i32 to index
            %parallel_loop3A_297 = tpu.vector_load %parallel_loop3A_295[%parallel_loop3A_296] {strides = array<i32>} : memref<5120xi32, #tpu.memory_space<vmem>>, vector<16xi32>,
            %parallel_loop3A_298 = vector.shape_cast %parallel_loop3A_297 : vector<16xi32> to vector<16xi32>
            %parallel_loop3A_299 = vector.shape_cast %parallel_loop3A_294 : vector<16xi32> to vector<16xi32>
            tpu.vector_store %parallel_loop3A_295[%parallel_loop3A_296], %parallel_loop3A_299 {strides = array<i32>} : memref<5120xi32, #tpu.memory_space<vmem>>, vector<16xi32>,
          } {sc.loop_unroll_factor = 8 : i64, sc.parallel_access}
          "tpu.trace_stop"() : () -> ()
          %ne3A_227 = arith.cmpi ne, %add3A_151, %add3A_169 : i32
          %or3A_228 = arith.constant false
          %or3A_229 = arith.ori %or3A_228, %ne3A_227 : i1
          %or3A_230 = arith.ori %or3A_229, %eq3A_150 : i1
          %convert_element_type3A_231 = arith.extui %or3A_230 : i1 to i32
          %cond3A_232 = arith.constant 0 : i32
          %cond3A_233 = arith.cmpi ne, %convert_element_type3A_231, %cond3A_232 : i32
          scf.if %cond3A_233 {
          } else {
          }
          %and3A_234 = arith.constant false
          %and3A_235 = arith.andi %or3A_230, %and3A_234 : i1
          %ne3A_236 = arith.cmpi ne, %add3A_151, %add3A_169 : i32
          %or3A_237 = arith.constant false
          %or3A_238 = arith.ori %or3A_237, %ne3A_236 : i1
          %or3A_239 = arith.ori %or3A_238, %eq3A_150 : i1
          %convert_element_type3A_240 = arith.extui %or3A_239 : i1 to i32
          %cond3A_241 = arith.constant 0 : i32
          %cond3A_242 = arith.cmpi ne, %convert_element_type3A_240, %cond3A_241 : i32
          scf.if %cond3A_242 {
            "tpu.trace_start"() <{level = 10 : i32, message = "ep_copy_out"}> : () -> ()
            %rem3A_287 = arith.constant 2 : i32
            %rem3A_288 = arith.remui %while3A_141, %rem3A_287 : i32
            %mul3A_289 = arith.constant 5120 : i32
            %mul3A_290 = arith.muli %mul3A_289, %add3A_151 : i32
            %mul3A_291 = arith.constant 5120 : i32
            %mul3A_292 = arith.muli %rem3A_288, %mul3A_291 : i32
            %add3A_293 = arith.constant 0 : i32
            %add3A_294 = arith.addi %mul3A_292, %add3A_293 : i32
            %dma_start3A_295 = tpu.memref_slice %run_scoped3A_18[%add3A_294] : memref<10240xi32, #tpu.memory_space<vmem>> -> memref<5120xi32, #tpu.memory_space<vmem>>
            %dma_start3A_296 = tpu.memref_slice %arg3[%mul3A_290] : memref<640000xi32, #tpu.memory_space<hbm>> -> memref<5120xi32, #tpu.memory_space<hbm>>
            %dma_start3A_297 = tpu.memref_slice %run_scoped3A_19[%rem3A_288] : memref<2x!tpu.dma_semaphore, #tpu.memory_space<semaphore_mem>> -> memref<1x!tpu.dma_semaphore, #tpu.memory_space<semaphore_mem>>
            %dma_start3A_298 = tpu.memref_squeeze %dma_start3A_297 : memref<1x!tpu.dma_semaphore, #tpu.memory_space<semaphore_mem>> -> memref<!tpu.dma_semaphore, #tpu.memory_space<semaphore_mem>>
            %dma_start3A_299 = tpu.memref_slice %arg3[%mul3A_290] : memref<640000xi32, #tpu.memory_space<hbm>> -> memref<5120xi32, #tpu.memory_space<hbm>>
            %dma_start3A_300 = tpu.memref_slice %run_scoped3A_18[%add3A_294] : memref<10240xi32, #tpu.memory_space<vmem>> -> memref<5120xi32, #tpu.memory_space<vmem>>
            tpu.enqueue_dma source(%dma_start3A_300 : memref<5120xi32, #tpu.memory_space<vmem>>) target(%dma_start3A_299 : memref<5120xi32, #tpu.memory_space<hbm>>) target_semaphore(%dma_start3A_298 : memref<!tpu.dma_semaphore, #tpu.memory_space<semaphore_mem>>)
            "tpu.trace_stop"() : () -> ()
          } else {
          }
          %and3A_243 = arith.constant true
          %and3A_244 = arith.andi %or3A_239, %and3A_243 : i1
          %add3A_245 = arith.constant 1 : i32
          %add3A_246 = arith.addi %while3A_141, %add3A_245 : i32
          %select_n3A_247 = arith.select %and3A_244, %add3A_246, %while3A_141 : i32
          %ne3A_248 = arith.cmpi ne, %add3A_151, %add3A_161 : i32
          %or3A_249 = arith.constant false
          %or3A_250 = arith.ori %or3A_249, %ne3A_248 : i1
          %not3A_251 = arith.constant true
          %not3A_252 = arith.xori %eq3A_147, %not3A_251 : i1
          %and3A_253 = arith.andi %or3A_250, %not3A_252 : i1
          %convert_element_type3A_254 = arith.extui %and3A_253 : i1 to i32
          %cond3A_255 = arith.constant 0 : i32
          %cond3A_256 = arith.cmpi ne, %convert_element_type3A_254, %cond3A_255 : i32
          scf.if %cond3A_256 {
          } else {
          }
          %and3A_257 = arith.constant false
          %and3A_258 = arith.andi %and3A_253, %and3A_257 : i1
          %ne3A_259 = arith.cmpi ne, %add3A_151, %add3A_161 : i32
          %or3A_260 = arith.constant false
          %or3A_261 = arith.ori %or3A_260, %ne3A_259 : i1
          %not3A_262 = arith.constant true
          %not3A_263 = arith.xori %eq3A_147, %not3A_262 : i1
          %and3A_264 = arith.andi %or3A_261, %not3A_263 : i1
          %convert_element_type3A_265 = arith.extui %and3A_264 : i1 to i32
          %cond3A_266 = arith.constant 0 : i32
          %cond3A_267 = arith.cmpi ne, %convert_element_type3A_265, %cond3A_266 : i32
          scf.if %cond3A_267 {
            "tpu.trace_start"() <{level = 10 : i32, message = "ep_wait_out"}> : () -> ()
            %rem3A_287 = arith.constant 2 : i32
            %rem3A_288 = arith.remui %while3A_142, %rem3A_287 : i32
            %mul3A_289 = arith.constant 5120 : i32
            %mul3A_290 = arith.muli %mul3A_289, %add3A_161 : i32
            %mul3A_291 = arith.constant 5120 : i32
            %mul3A_292 = arith.muli %rem3A_288, %mul3A_291 : i32
            %add3A_293 = arith.constant 0 : i32
            %add3A_294 = arith.addi %mul3A_292, %add3A_293 : i32
            %dma_wait3A = tpu.memref_slice %run_scoped3A_18[%add3A_294] : memref<10240xi32, #tpu.memory_space<vmem>> -> memref<5120xi32, #tpu.memory_space<vmem>>
            %dma_wait3A_295 = tpu.memref_slice %arg3[%mul3A_290] : memref<640000xi32, #tpu.memory_space<hbm>> -> memref<5120xi32, #tpu.memory_space<hbm>>
            %dma_wait3A_296 = tpu.memref_slice %run_scoped3A_19[%rem3A_288] : memref<2x!tpu.dma_semaphore, #tpu.memory_space<semaphore_mem>> -> memref<1x!tpu.dma_semaphore, #tpu.memory_space<semaphore_mem>>
            %dma_wait3A_297 = tpu.memref_squeeze %dma_wait3A_296 : memref<1x!tpu.dma_semaphore, #tpu.memory_space<semaphore_mem>> -> memref<!tpu.dma_semaphore, #tpu.memory_space<semaphore_mem>>
            %dma_wait3A_298 = tpu.memref_slice %arg3[%mul3A_290] : memref<640000xi32, #tpu.memory_space<hbm>> -> memref<5120xi32, #tpu.memory_space<hbm>>
            %dma_wait3A_299 = tpu.memref_slice %run_scoped3A_18[%add3A_294] : memref<10240xi32, #tpu.memory_space<vmem>> -> memref<5120xi32, #tpu.memory_space<vmem>>
            tpu.wait_dma2 semaphore(%dma_wait3A_297 : memref<!tpu.dma_semaphore, #tpu.memory_space<semaphore_mem>>) src(%dma_wait3A_299 : memref<5120xi32, #tpu.memory_space<vmem>>) dst(%dma_wait3A_298 : memref<5120xi32, #tpu.memory_space<hbm>>)
            "tpu.trace_stop"() : () -> ()
          } else {
          }
          %and3A_268 = arith.constant true
          %and3A_269 = arith.andi %and3A_264, %and3A_268 : i1
          %add3A_270 = arith.constant 1 : i32
          %add3A_271 = arith.addi %while3A_142, %add3A_270 : i32
          %select_n3A_272 = arith.select %and3A_269, %add3A_271, %while3A_142 : i32
          %ne3A_273 = arith.cmpi ne, %add3A_151, %add3A_169 : i32
          %or3A_274 = arith.constant false
          %or3A_275 = arith.ori %or3A_274, %ne3A_273 : i1
          %or3A_276 = arith.ori %or3A_275, %eq3A_150 : i1
          %add3A_277 = arith.constant 1 : i32
          %add3A_278 = arith.addi %while3A_140, %add3A_277 : i32
          %select_n3A_279 = arith.select %or3A_276, %add3A_278, %while3A_140 : i32
          %add3A_280 = arith.constant 1 : i32
          %add3A_281 = arith.addi %while3A_143, %add3A_280 : i32
          %select_n3A_282 = arith.constant true
          %select_n3A_283 = arith.select %select_n3A_282, %add3A_281, %while3A_143 : i32
          %eq3A_284 = arith.cmpi eq, %select_n3A_283, %select_n3A : i32
          %select_n3A_285 = arith.constant 0 : i32
          %select_n3A_286 = arith.select %eq3A_284, %select_n3A_285, %select_n3A_283 : i32
          scf.yield %select_n3A_191, %select_n3A_279, %select_n3A_247, %select_n3A_272, %select_n3A_286 : i32, i32, i32, i32, i32
        }
        %while3A_85 = arith.constant 1 : i32
        %while3A_86:5 = scf.for %while3A_138 = %while3A_82 to %while3A_78 step %while3A_85 iter_args(%while3A_139 = %while3A_84#0, %while3A_140 = %while3A_84#1, %while3A_141 = %while3A_84#2, %while3A_142 = %while3A_84#3, %while3A_143 = %while3A_84#4) -> (i32, i32, i32, i32, i32)  : i32 {
          %mul3A_144 = arith.constant 1 : i32
          %mul3A_145 = arith.muli %mul3A_144, %select_n3A : i32
          %eq3A_146 = arith.constant 0 : i32
          %eq3A_147 = arith.cmpi eq, %while3A_138, %eq3A_146 : i32
          %sub3A_148 = arith.constant 1 : i32
          %sub3A_149 = arith.subi %mul3A_145, %sub3A_148 : i32
          %eq3A_150 = arith.cmpi eq, %while3A_138, %sub3A_149 : i32
          %add3A_151 = arith.addi %while3A_143, %select_n3A_14 : i32
          %sub3A_152 = arith.constant 1 : i32
          %sub3A_153 = arith.subi %while3A_143, %sub3A_152 : i32
          %select_n3A_154 = arith.constant true
          %select_n3A_155 = arith.select %select_n3A_154, %sub3A_153, %while3A_143 : i32
          %eq3A_156 = arith.constant -1 : i32
          %eq3A_157 = arith.cmpi eq, %select_n3A_155, %eq3A_156 : i32
          %sub3A_158 = arith.constant 1 : i32
          %sub3A_159 = arith.subi %select_n3A, %sub3A_158 : i32
          %select_n3A_160 = arith.select %eq3A_157, %sub3A_159, %select_n3A_155 : i32
          %add3A_161 = arith.addi %select_n3A_160, %select_n3A_14 : i32
          %add3A_162 = arith.constant 1 : i32
          %add3A_163 = arith.addi %while3A_143, %add3A_162 : i32
          %select_n3A_164 = arith.constant true
          %select_n3A_165 = arith.select %select_n3A_164, %add3A_163, %while3A_143 : i32
          %eq3A_166 = arith.cmpi eq, %select_n3A_165, %select_n3A : i32
          %select_n3A_167 = arith.constant 0 : i32
          %select_n3A_168 = arith.select %eq3A_166, %select_n3A_167, %select_n3A_165 : i32
          %add3A_169 = arith.addi %select_n3A_168, %select_n3A_14 : i32
          %add3A_170 = arith.constant 1 : i32
          %add3A_171 = arith.addi %select_n3A_168, %add3A_170 : i32
          %select_n3A_172 = arith.constant true
          %select_n3A_173 = arith.select %select_n3A_172, %add3A_171, %select_n3A_168 : i32
          %eq3A_174 = arith.cmpi eq, %select_n3A_173, %select_n3A : i32
          %select_n3A_175 = arith.constant 0 : i32
          %select_n3A_176 = arith.select %eq3A_174, %select_n3A_175, %select_n3A_173 : i32
          %add3A_177 = arith.addi %select_n3A_176, %select_n3A_14 : i32
          %ne3A = arith.cmpi ne, %add3A_151, %add3A_169 : i32
          %or3A = arith.constant false
          %or3A_178 = arith.ori %or3A, %ne3A : i1
          %sub3A_179 = arith.constant 2 : i32
          %sub3A_180 = arith.subi %mul3A_145, %sub3A_179 : i32
          %add3A_181 = arith.constant 1 : i32
          %add3A_182 = arith.addi %sub3A_180, %add3A_181 : i32
          %ge3A = arith.cmpi sge, %while3A_138, %add3A_182 : i32
          %not3A = arith.constant true
          %not3A_183 = arith.xori %ge3A, %not3A : i1
          %and3A = arith.andi %or3A_178, %not3A_183 : i1
          %convert_element_type3A_184 = arith.extui %and3A : i1 to i32
          %cond3A_185 = arith.constant 0 : i32
          %cond3A_186 = arith.cmpi ne, %convert_element_type3A_184, %cond3A_185 : i32
          scf.if %cond3A_186 {
            "tpu.trace_start"() <{level = 10 : i32, message = "ep_copy_in"}> : () -> ()
            %rem3A_287 = arith.constant 2 : i32
            %rem3A_288 = arith.remui %while3A_139, %rem3A_287 : i32
            %mul3A_289 = arith.constant 5120 : i32
            %mul3A_290 = arith.muli %mul3A_289, %add3A_169 : i32
            %mul3A_291 = arith.constant 5120 : i32
            %mul3A_292 = arith.muli %rem3A_288, %mul3A_291 : i32
            %add3A_293 = arith.constant 0 : i32
            %add3A_294 = arith.addi %mul3A_292, %add3A_293 : i32
            %dma_start3A_295 = tpu.memref_slice %run_scoped3A[%add3A_294] : memref<10240xi32, #tpu.memory_space<vmem>> -> memref<5120xi32, #tpu.memory_space<vmem>>
            %dma_start3A_296 = tpu.memref_slice %arg2[%mul3A_290] : memref<640000xi32, #tpu.memory_space<hbm>> -> memref<5120xi32, #tpu.memory_space<hbm>>
            %dma_start3A_297 = tpu.memref_slice %run_scoped3A_17[%rem3A_288] : memref<2x!tpu.dma_semaphore, #tpu.memory_space<semaphore_mem>> -> memref<1x!tpu.dma_semaphore, #tpu.memory_space<semaphore_mem>>
            %dma_start3A_298 = tpu.memref_squeeze %dma_start3A_297 : memref<1x!tpu.dma_semaphore, #tpu.memory_space<semaphore_mem>> -> memref<!tpu.dma_semaphore, #tpu.memory_space<semaphore_mem>>
            %dma_start3A_299 = tpu.memref_slice %run_scoped3A[%add3A_294] : memref<10240xi32, #tpu.memory_space<vmem>> -> memref<5120xi32, #tpu.memory_space<vmem>>
            %dma_start3A_300 = tpu.memref_slice %arg2[%mul3A_290] : memref<640000xi32, #tpu.memory_space<hbm>> -> memref<5120xi32, #tpu.memory_space<hbm>>
            tpu.enqueue_dma source(%dma_start3A_300 : memref<5120xi32, #tpu.memory_space<hbm>>) target(%dma_start3A_299 : memref<5120xi32, #tpu.memory_space<vmem>>) target_semaphore(%dma_start3A_298 : memref<!tpu.dma_semaphore, #tpu.memory_space<semaphore_mem>>)
            "tpu.trace_stop"() : () -> ()
          } else {
          }
          %and3A_187 = arith.constant true
          %and3A_188 = arith.andi %and3A, %and3A_187 : i1
          %add3A_189 = arith.constant 1 : i32
          %add3A_190 = arith.addi %while3A_139, %add3A_189 : i32
          %select_n3A_191 = arith.select %and3A_188, %add3A_190, %while3A_139 : i32
          %ne3A_192 = arith.cmpi ne, %add3A_151, %add3A_169 : i32
          %or3A_193 = arith.constant false
          %or3A_194 = arith.ori %or3A_193, %ne3A_192 : i1
          %sub3A_195 = arith.constant 2 : i32
          %sub3A_196 = arith.subi %mul3A_145, %sub3A_195 : i32
          %add3A_197 = arith.constant 1 : i32
          %add3A_198 = arith.addi %sub3A_196, %add3A_197 : i32
          %ge3A_199 = arith.cmpi sge, %while3A_138, %add3A_198 : i32
          %not3A_200 = arith.constant true
          %not3A_201 = arith.xori %ge3A_199, %not3A_200 : i1
          %and3A_202 = arith.andi %or3A_194, %not3A_201 : i1
          %ne3A_203 = arith.cmpi ne, %add3A_151, %add3A_161 : i32
          %or3A_204 = arith.constant false
          %or3A_205 = arith.ori %or3A_204, %ne3A_203 : i1
          %or3A_206 = arith.ori %or3A_205, %eq3A_147 : i1
          %convert_element_type3A_207 = arith.extui %or3A_206 : i1 to i32
          %cond3A_208 = arith.constant 0 : i32
          %cond3A_209 = arith.cmpi ne, %convert_element_type3A_207, %cond3A_208 : i32
          scf.if %cond3A_209 {
            "tpu.trace_start"() <{level = 10 : i32, message = "ep_wait_in"}> : () -> ()
            %mul3A_287 = arith.constant 5120 : i32
            %mul3A_288 = arith.muli %mul3A_287, %add3A_151 : i32
            %rem3A_289 = arith.constant 2 : i32
            %rem3A_290 = arith.remui %while3A_140, %rem3A_289 : i32
            %mul3A_291 = arith.constant 5120 : i32
            %mul3A_292 = arith.muli %rem3A_290, %mul3A_291 : i32
            %add3A_293 = arith.constant 0 : i32
            %add3A_294 = arith.addi %mul3A_292, %add3A_293 : i32
            %dma_wait3A = tpu.memref_slice %run_scoped3A[%add3A_294] : memref<10240xi32, #tpu.memory_space<vmem>> -> memref<5120xi32, #tpu.memory_space<vmem>>
            %dma_wait3A_295 = tpu.memref_slice %arg2[%mul3A_288] : memref<640000xi32, #tpu.memory_space<hbm>> -> memref<5120xi32, #tpu.memory_space<hbm>>
            %dma_wait3A_296 = tpu.memref_slice %run_scoped3A_17[%rem3A_290] : memref<2x!tpu.dma_semaphore, #tpu.memory_space<semaphore_mem>> -> memref<1x!tpu.dma_semaphore, #tpu.memory_space<semaphore_mem>>
            %dma_wait3A_297 = tpu.memref_squeeze %dma_wait3A_296 : memref<1x!tpu.dma_semaphore, #tpu.memory_space<semaphore_mem>> -> memref<!tpu.dma_semaphore, #tpu.memory_space<semaphore_mem>>
            %dma_wait3A_298 = tpu.memref_slice %run_scoped3A[%add3A_294] : memref<10240xi32, #tpu.memory_space<vmem>> -> memref<5120xi32, #tpu.memory_space<vmem>>
            %dma_wait3A_299 = tpu.memref_slice %arg2[%mul3A_288] : memref<640000xi32, #tpu.memory_space<hbm>> -> memref<5120xi32, #tpu.memory_space<hbm>>
            tpu.wait_dma2 semaphore(%dma_wait3A_297 : memref<!tpu.dma_semaphore, #tpu.memory_space<semaphore_mem>>) src(%dma_wait3A_299 : memref<5120xi32, #tpu.memory_space<hbm>>) dst(%dma_wait3A_298 : memref<5120xi32, #tpu.memory_space<vmem>>)
            "tpu.trace_stop"() : () -> ()
          } else {
          }
          %ne3A_210 = arith.cmpi ne, %add3A_151, %add3A_161 : i32
          %or3A_211 = arith.constant false
          %or3A_212 = arith.ori %or3A_211, %ne3A_210 : i1
          %or3A_213 = arith.ori %or3A_212, %eq3A_147 : i1
          %convert_element_type3A_214 = arith.extui %or3A_213 : i1 to i32
          %cond3A_215 = arith.constant 0 : i32
          %cond3A_216 = arith.cmpi ne, %convert_element_type3A_214, %cond3A_215 : i32
          scf.if %cond3A_216 {
          } else {
          }
          %rem3A_217 = arith.constant 2 : i32
          %rem3A_218 = arith.remui %while3A_140, %rem3A_217 : i32
          %mul3A_219 = arith.constant 5120 : i32
          %mul3A_220 = arith.muli %rem3A_218, %mul3A_219 : i32
          %rem3A_221 = arith.constant 2 : i32
          %rem3A_222 = arith.remui %while3A_141, %rem3A_221 : i32
          %mul3A_223 = arith.constant 5120 : i32
          %mul3A_224 = arith.muli %rem3A_222, %mul3A_223 : i32
          %parallel_loop3A = arith.constant 0 : i32
          %parallel_loop3A_225 = arith.constant 5120 : i32
          %parallel_loop3A_226 = arith.constant 16 : i32
          "tpu.trace_start"() <{level = 10 : i32, message = "ep_run_kernel"}> : () -> ()
          scf.for %parallel_loop3A_287 = %parallel_loop3A to %parallel_loop3A_225 step %parallel_loop3A_226  : i32 {
            %parallel_loop3A_288 = tpu.memref_slice %run_scoped3A[%mul3A_220] : memref<10240xi32, #tpu.memory_space<vmem>> -> memref<5120xi32, #tpu.memory_space<vmem>>
            %parallel_loop3A_289 = arith.index_cast %parallel_loop3A_287 : i32 to index
            %parallel_loop3A_290 = tpu.vector_load %parallel_loop3A_288[%parallel_loop3A_289] {strides = array<i32>} : memref<5120xi32, #tpu.memory_space<vmem>>, vector<16xi32>,
            %parallel_loop3A_291 = vector.shape_cast %parallel_loop3A_290 : vector<16xi32> to vector<16xi32>
            %parallel_loop3A_292 = arith.constant 128 : i32
            %parallel_loop3A_293 = vector.broadcast %parallel_loop3A_292 : i32 to vector<16xi32>
            %parallel_loop3A_294 = arith.addi %parallel_loop3A_291, %parallel_loop3A_293 : vector<16xi32>
            %parallel_loop3A_295 = tpu.memref_slice %run_scoped3A_18[%mul3A_224] : memref<10240xi32, #tpu.memory_space<vmem>> -> memref<5120xi32, #tpu.memory_space<vmem>>
            %parallel_loop3A_296 = arith.index_cast %parallel_loop3A_287 : i32 to index
            %parallel_loop3A_297 = tpu.vector_load %parallel_loop3A_295[%parallel_loop3A_296] {strides = array<i32>} : memref<5120xi32, #tpu.memory_space<vmem>>, vector<16xi32>,
            %parallel_loop3A_298 = vector.shape_cast %parallel_loop3A_297 : vector<16xi32> to vector<16xi32>
            %parallel_loop3A_299 = vector.shape_cast %parallel_loop3A_294 : vector<16xi32> to vector<16xi32>
            tpu.vector_store %parallel_loop3A_295[%parallel_loop3A_296], %parallel_loop3A_299 {strides = array<i32>} : memref<5120xi32, #tpu.memory_space<vmem>>, vector<16xi32>,
          } {sc.loop_unroll_factor = 8 : i64, sc.parallel_access}
          "tpu.trace_stop"() : () -> ()
          %ne3A_227 = arith.cmpi ne, %add3A_151, %add3A_169 : i32
          %or3A_228 = arith.constant false
          %or3A_229 = arith.ori %or3A_228, %ne3A_227 : i1
          %or3A_230 = arith.ori %or3A_229, %eq3A_150 : i1
          %convert_element_type3A_231 = arith.extui %or3A_230 : i1 to i32
          %cond3A_232 = arith.constant 0 : i32
          %cond3A_233 = arith.cmpi ne, %convert_element_type3A_231, %cond3A_232 : i32
          scf.if %cond3A_233 {
          } else {
          }
          %and3A_234 = arith.constant false
          %and3A_235 = arith.andi %or3A_230, %and3A_234 : i1
          %ne3A_236 = arith.cmpi ne, %add3A_151, %add3A_169 : i32
          %or3A_237 = arith.constant false
          %or3A_238 = arith.ori %or3A_237, %ne3A_236 : i1
          %or3A_239 = arith.ori %or3A_238, %eq3A_150 : i1
          %convert_element_type3A_240 = arith.extui %or3A_239 : i1 to i32
          %cond3A_241 = arith.constant 0 : i32
          %cond3A_242 = arith.cmpi ne, %convert_element_type3A_240, %cond3A_241 : i32
          scf.if %cond3A_242 {
            "tpu.trace_start"() <{level = 10 : i32, message = "ep_copy_out"}> : () -> ()
            %rem3A_287 = arith.constant 2 : i32
            %rem3A_288 = arith.remui %while3A_141, %rem3A_287 : i32
            %mul3A_289 = arith.constant 5120 : i32
            %mul3A_290 = arith.muli %mul3A_289, %add3A_151 : i32
            %mul3A_291 = arith.constant 5120 : i32
            %mul3A_292 = arith.muli %rem3A_288, %mul3A_291 : i32
            %add3A_293 = arith.constant 0 : i32
            %add3A_294 = arith.addi %mul3A_292, %add3A_293 : i32
            %dma_start3A_295 = tpu.memref_slice %run_scoped3A_18[%add3A_294] : memref<10240xi32, #tpu.memory_space<vmem>> -> memref<5120xi32, #tpu.memory_space<vmem>>
            %dma_start3A_296 = tpu.memref_slice %arg3[%mul3A_290] : memref<640000xi32, #tpu.memory_space<hbm>> -> memref<5120xi32, #tpu.memory_space<hbm>>
            %dma_start3A_297 = tpu.memref_slice %run_scoped3A_19[%rem3A_288] : memref<2x!tpu.dma_semaphore, #tpu.memory_space<semaphore_mem>> -> memref<1x!tpu.dma_semaphore, #tpu.memory_space<semaphore_mem>>
            %dma_start3A_298 = tpu.memref_squeeze %dma_start3A_297 : memref<1x!tpu.dma_semaphore, #tpu.memory_space<semaphore_mem>> -> memref<!tpu.dma_semaphore, #tpu.memory_space<semaphore_mem>>
            %dma_start3A_299 = tpu.memref_slice %arg3[%mul3A_290] : memref<640000xi32, #tpu.memory_space<hbm>> -> memref<5120xi32, #tpu.memory_space<hbm>>
            %dma_start3A_300 = tpu.memref_slice %run_scoped3A_18[%add3A_294] : memref<10240xi32, #tpu.memory_space<vmem>> -> memref<5120xi32, #tpu.memory_space<vmem>>
            tpu.enqueue_dma source(%dma_start3A_300 : memref<5120xi32, #tpu.memory_space<vmem>>) target(%dma_start3A_299 : memref<5120xi32, #tpu.memory_space<hbm>>) target_semaphore(%dma_start3A_298 : memref<!tpu.dma_semaphore, #tpu.memory_space<semaphore_mem>>)
            "tpu.trace_stop"() : () -> ()
          } else {
          }
          %and3A_243 = arith.constant true
          %and3A_244 = arith.andi %or3A_239, %and3A_243 : i1
          %add3A_245 = arith.constant 1 : i32
          %add3A_246 = arith.addi %while3A_141, %add3A_245 : i32
          %select_n3A_247 = arith.select %and3A_244, %add3A_246, %while3A_141 : i32
          %ne3A_248 = arith.cmpi ne, %add3A_151, %add3A_161 : i32
          %or3A_249 = arith.constant false
          %or3A_250 = arith.ori %or3A_249, %ne3A_248 : i1
          %not3A_251 = arith.constant true
          %not3A_252 = arith.xori %eq3A_147, %not3A_251 : i1
          %and3A_253 = arith.andi %or3A_250, %not3A_252 : i1
          %convert_element_type3A_254 = arith.extui %and3A_253 : i1 to i32
          %cond3A_255 = arith.constant 0 : i32
          %cond3A_256 = arith.cmpi ne, %convert_element_type3A_254, %cond3A_255 : i32
          scf.if %cond3A_256 {
          } else {
          }
          %and3A_257 = arith.constant false
          %and3A_258 = arith.andi %and3A_253, %and3A_257 : i1
          %ne3A_259 = arith.cmpi ne, %add3A_151, %add3A_161 : i32
          %or3A_260 = arith.constant false
          %or3A_261 = arith.ori %or3A_260, %ne3A_259 : i1
          %not3A_262 = arith.constant true
          %not3A_263 = arith.xori %eq3A_147, %not3A_262 : i1
          %and3A_264 = arith.andi %or3A_261, %not3A_263 : i1
          %convert_element_type3A_265 = arith.extui %and3A_264 : i1 to i32
          %cond3A_266 = arith.constant 0 : i32
          %cond3A_267 = arith.cmpi ne, %convert_element_type3A_265, %cond3A_266 : i32
          scf.if %cond3A_267 {
            "tpu.trace_start"() <{level = 10 : i32, message = "ep_wait_out"}> : () -> ()
            %rem3A_287 = arith.constant 2 : i32
            %rem3A_288 = arith.remui %while3A_142, %rem3A_287 : i32
            %mul3A_289 = arith.constant 5120 : i32
            %mul3A_290 = arith.muli %mul3A_289, %add3A_161 : i32
            %mul3A_291 = arith.constant 5120 : i32
            %mul3A_292 = arith.muli %rem3A_288, %mul3A_291 : i32
            %add3A_293 = arith.constant 0 : i32
            %add3A_294 = arith.addi %mul3A_292, %add3A_293 : i32
            %dma_wait3A = tpu.memref_slice %run_scoped3A_18[%add3A_294] : memref<10240xi32, #tpu.memory_space<vmem>> -> memref<5120xi32, #tpu.memory_space<vmem>>
            %dma_wait3A_295 = tpu.memref_slice %arg3[%mul3A_290] : memref<640000xi32, #tpu.memory_space<hbm>> -> memref<5120xi32, #tpu.memory_space<hbm>>
            %dma_wait3A_296 = tpu.memref_slice %run_scoped3A_19[%rem3A_288] : memref<2x!tpu.dma_semaphore, #tpu.memory_space<semaphore_mem>> -> memref<1x!tpu.dma_semaphore, #tpu.memory_space<semaphore_mem>>
            %dma_wait3A_297 = tpu.memref_squeeze %dma_wait3A_296 : memref<1x!tpu.dma_semaphore, #tpu.memory_space<semaphore_mem>> -> memref<!tpu.dma_semaphore, #tpu.memory_space<semaphore_mem>>
            %dma_wait3A_298 = tpu.memref_slice %arg3[%mul3A_290] : memref<640000xi32, #tpu.memory_space<hbm>> -> memref<5120xi32, #tpu.memory_space<hbm>>
            %dma_wait3A_299 = tpu.memref_slice %run_scoped3A_18[%add3A_294] : memref<10240xi32, #tpu.memory_space<vmem>> -> memref<5120xi32, #tpu.memory_space<vmem>>
            tpu.wait_dma2 semaphore(%dma_wait3A_297 : memref<!tpu.dma_semaphore, #tpu.memory_space<semaphore_mem>>) src(%dma_wait3A_299 : memref<5120xi32, #tpu.memory_space<vmem>>) dst(%dma_wait3A_298 : memref<5120xi32, #tpu.memory_space<hbm>>)
            "tpu.trace_stop"() : () -> ()
          } else {
          }
          %and3A_268 = arith.constant true
          %and3A_269 = arith.andi %and3A_264, %and3A_268 : i1
          %add3A_270 = arith.constant 1 : i32
          %add3A_271 = arith.addi %while3A_142, %add3A_270 : i32
          %select_n3A_272 = arith.select %and3A_269, %add3A_271, %while3A_142 : i32
          %ne3A_273 = arith.cmpi ne, %add3A_151, %add3A_169 : i32
          %or3A_274 = arith.constant false
          %or3A_275 = arith.ori %or3A_274, %ne3A_273 : i1
          %or3A_276 = arith.ori %or3A_275, %eq3A_150 : i1
          %add3A_277 = arith.constant 1 : i32
          %add3A_278 = arith.addi %while3A_140, %add3A_277 : i32
          %select_n3A_279 = arith.select %or3A_276, %add3A_278, %while3A_140 : i32
          %add3A_280 = arith.constant 1 : i32
          %add3A_281 = arith.addi %while3A_143, %add3A_280 : i32
          %select_n3A_282 = arith.constant true
          %select_n3A_283 = arith.select %select_n3A_282, %add3A_281, %while3A_143 : i32
          %eq3A_284 = arith.cmpi eq, %select_n3A_283, %select_n3A : i32
          %select_n3A_285 = arith.constant 0 : i32
          %select_n3A_286 = arith.select %eq3A_284, %select_n3A_285, %select_n3A_283 : i32
          scf.yield %select_n3A_191, %select_n3A_279, %select_n3A_247, %select_n3A_272, %select_n3A_286 : i32, i32, i32, i32, i32
        }
        %sub3A_87 = arith.constant 1 : i32
        %sub3A_88 = arith.subi %while3A_86#4, %sub3A_87 : i32
        %select_n3A_89 = arith.constant true
        %select_n3A_90 = arith.select %select_n3A_89, %sub3A_88, %while3A_86#4 : i32
        %eq3A_91 = arith.constant -1 : i32
        %eq3A_92 = arith.cmpi eq, %select_n3A_90, %eq3A_91 : i32
        %sub3A_93 = arith.constant 1 : i32
        %sub3A_94 = arith.subi %select_n3A, %sub3A_93 : i32
        %select_n3A_95 = arith.select %eq3A_92, %sub3A_94, %select_n3A_90 : i32
        %sub3A_96 = arith.constant 1 : i32
        %sub3A_97 = arith.subi %mul3A_16, %sub3A_96 : i32
        %mul3A_98 = arith.constant 1 : i32
        %mul3A_99 = arith.muli %mul3A_98, %select_n3A : i32
        %eq3A_100 = arith.constant 0 : i32
        %eq3A_101 = arith.cmpi eq, %sub3A_97, %eq3A_100 : i32
        %sub3A_102 = arith.constant 1 : i32
        %sub3A_103 = arith.subi %mul3A_99, %sub3A_102 : i32
        %eq3A_104 = arith.cmpi eq, %sub3A_97, %sub3A_103 : i32
        %add3A_105 = arith.addi %select_n3A_95, %select_n3A_14 : i32
        %sub3A_106 = arith.constant 1 : i32
        %sub3A_107 = arith.subi %select_n3A_95, %sub3A_106 : i32
        %select_n3A_108 = arith.constant true
        %select_n3A_109 = arith.select %select_n3A_108, %sub3A_107, %select_n3A_95 : i32
        %eq3A_110 = arith.constant -1 : i32
        %eq3A_111 = arith.cmpi eq, %select_n3A_109, %eq3A_110 : i32
        %sub3A_112 = arith.constant 1 : i32
        %sub3A_113 = arith.subi %select_n3A, %sub3A_112 : i32
        %select_n3A_114 = arith.select %eq3A_111, %sub3A_113, %select_n3A_109 : i32
        %add3A_115 = arith.addi %select_n3A_114, %select_n3A_14 : i32
        %add3A_116 = arith.constant 1 : i32
        %add3A_117 = arith.addi %select_n3A_95, %add3A_116 : i32
        %select_n3A_118 = arith.constant true
        %select_n3A_119 = arith.select %select_n3A_118, %add3A_117, %select_n3A_95 : i32
        %eq3A_120 = arith.cmpi eq, %select_n3A_119, %select_n3A : i32
        %select_n3A_121 = arith.constant 0 : i32
        %select_n3A_122 = arith.select %eq3A_120, %select_n3A_121, %select_n3A_119 : i32
        %add3A_123 = arith.addi %select_n3A_122, %select_n3A_14 : i32
        %add3A_124 = arith.constant 1 : i32
        %add3A_125 = arith.addi %select_n3A_122, %add3A_124 : i32
        %select_n3A_126 = arith.constant true
        %select_n3A_127 = arith.select %select_n3A_126, %add3A_125, %select_n3A_122 : i32
        %eq3A_128 = arith.cmpi eq, %select_n3A_127, %select_n3A : i32
        %select_n3A_129 = arith.constant 0 : i32
        %select_n3A_130 = arith.select %eq3A_128, %select_n3A_129, %select_n3A_127 : i32
        %add3A_131 = arith.addi %select_n3A_130, %select_n3A_14 : i32
        %convert_element_type3A_132 = arith.extui %eq3A_104 : i1 to i32
        %cond3A_133 = arith.constant 0 : i32
        %cond3A_134 = arith.cmpi ne, %convert_element_type3A_132, %cond3A_133 : i32
        scf.if %cond3A_134 {
        } else {
        }
        %convert_element_type3A_135 = arith.extui %eq3A_104 : i1 to i32
        %cond3A_136 = arith.constant 0 : i32
        %cond3A_137 = arith.cmpi ne, %convert_element_type3A_135, %cond3A_136 : i32
        scf.if %cond3A_137 {
          "tpu.trace_start"() <{level = 10 : i32, message = "ep_finalize"}> : () -> ()
          %rem3A_138 = arith.constant 2 : i32
          %rem3A_139 = arith.remui %while3A_86#3, %rem3A_138 : i32
          %mul3A_140 = arith.constant 5120 : i32
          %mul3A_141 = arith.muli %mul3A_140, %add3A_105 : i32
          %mul3A_142 = arith.constant 5120 : i32
          %mul3A_143 = arith.muli %rem3A_139, %mul3A_142 : i32
          %add3A_144 = arith.constant 0 : i32
          %add3A_145 = arith.addi %mul3A_143, %add3A_144 : i32
          %dma_wait3A = tpu.memref_slice %run_scoped3A_18[%add3A_145] : memref<10240xi32, #tpu.memory_space<vmem>> -> memref<5120xi32, #tpu.memory_space<vmem>>
          %dma_wait3A_146 = tpu.memref_slice %arg3[%mul3A_141] : memref<640000xi32, #tpu.memory_space<hbm>> -> memref<5120xi32, #tpu.memory_space<hbm>>
          %dma_wait3A_147 = tpu.memref_slice %run_scoped3A_19[%rem3A_139] : memref<2x!tpu.dma_semaphore, #tpu.memory_space<semaphore_mem>> -> memref<1x!tpu.dma_semaphore, #tpu.memory_space<semaphore_mem>>
          %dma_wait3A_148 = tpu.memref_squeeze %dma_wait3A_147 : memref<1x!tpu.dma_semaphore, #tpu.memory_space<semaphore_mem>> -> memref<!tpu.dma_semaphore, #tpu.memory_space<semaphore_mem>>
          %dma_wait3A_149 = tpu.memref_slice %arg3[%mul3A_141] : memref<640000xi32, #tpu.memory_space<hbm>> -> memref<5120xi32, #tpu.memory_space<hbm>>
          %dma_wait3A_150 = tpu.memref_slice %run_scoped3A_18[%add3A_145] : memref<10240xi32, #tpu.memory_space<vmem>> -> memref<5120xi32, #tpu.memory_space<vmem>>
          tpu.wait_dma2 semaphore(%dma_wait3A_148 : memref<!tpu.dma_semaphore, #tpu.memory_space<semaphore_mem>>) src(%dma_wait3A_150 : memref<5120xi32, #tpu.memory_space<vmem>>) dst(%dma_wait3A_149 : memref<5120xi32, #tpu.memory_space<hbm>>)
          "tpu.trace_stop"() : () -> ()
        } else {
        }
      } else {
      }
      tpu.yield
    }) : () -> ()
    return
  }
}

module attributes {stable_mosaic.version = 14 : i64} {
  func.func @_dense_body(%arg0: i32, %arg1: memref<1024x128xf32, #tpu.memory_space<vmem>>, %arg2: memref<1024x128xf32, #tpu.memory_space<vmem>>, %arg3: memref<128x128xf32, #tpu.memory_space<vmem>>, %arg4: memref<8x128xf32, #tpu.memory_space<vmem>>, %arg5: memref<128x1024xf32, #tpu.memory_space<vmem>>, %arg6: memref<1024x128xf32, #tpu.memory_space<vmem>>) attributes {dimension_semantics = [#tpu.dimension_semantics<arbitrary>], iteration_bounds = array<i64: 10>, scalar_prefetch = 0 : i64, scratch_operands = 0 : i64, tpu.core_type = #tpu.core_type<tc>, window_params = [{transform_indices = @transform_0, window_bounds = array<i64: 1024, 128>}, {transform_indices = @transform_1, window_bounds = array<i64: 1024, 128>}, {pipeline_mode = #tpu.pipeline_mode<synchronous>, transform_indices = @transform_2, window_bounds = array<i64: 128, 128>}, {pipeline_mode = #tpu.pipeline_mode<synchronous>, transform_indices = @transform_3, window_bounds = array<i64: 8, 128>}, {transform_indices = @transform_4, window_bounds = array<i64: 128, 1024>}, {transform_indices = @transform_5, window_bounds = array<i64: 1024, 128>}]} {
    %get3A = arith.constant 0 : index
    %get3A_0 = arith.constant 0 : index
    %get3A_1 = vector.load %arg1[%get3A, %get3A_0] : memref<1024x128xf32, #tpu.memory_space<vmem>>, vector<1024x128xf32>
    %get3A_2 = arith.constant 0 : index
    %get3A_3 = arith.constant 0 : index
    %get3A_4 = vector.load %arg2[%get3A_2, %get3A_3] : memref<1024x128xf32, #tpu.memory_space<vmem>>, vector<1024x128xf32>
    %get3A_5 = arith.constant 0 : index
    %get3A_6 = arith.constant 0 : index
    %get3A_7 = vector.load %arg3[%get3A_5, %get3A_6] : memref<128x128xf32, #tpu.memory_space<vmem>>, vector<128x128xf32>
    %get3A_8 = arith.constant 0 : index
    %get3A_9 = arith.constant 0 : index
    %get3A_10 = vector.load %arg4[%get3A_8, %get3A_9] : memref<8x128xf32, #tpu.memory_space<vmem>>, vector<8x128xf32>
    %slice3A = vector.extract_strided_slice %get3A_1 {offsets = [1008, 0], sizes = [16, 128], strides = [1, 1]} : vector<1024x128xf32> to vector<16x128xf32>
    %slice3A_11 = vector.extract_strided_slice %get3A_4 {offsets = [0, 0], sizes = [1008, 128], strides = [1, 1]} : vector<1024x128xf32> to vector<1008x128xf32>
    %concatenate3A = tpu.concatenate %slice3A, %slice3A_11 in 0 : vector<16x128xf32>, vector<1008x128xf32> -> vector<1024x128xf32>
    %dot_general3A = arith.constant dense<0.000000e+00> : vector<8x1024xf32>
    %dot_general3A_12 = tpu.matmul %get3A_10, %concatenate3A, %dot_general3A {dimension_numbers = #tpu.dot_dimension_numbers<[1], [1], [0], [0], [0, 0, 1, 0], [], []>, transpose_lhs_hint = false} : vector<8x128xf32>, vector<1024x128xf32>, vector<8x1024xf32> -> vector<8x1024xf32>
    %broadcast_in_dim3A = arith.constant 0xFF800000 : f32
    %broadcast_in_dim3A_13 = vector.broadcast %broadcast_in_dim3A : f32 to vector<1x1024xf32>
    %broadcast_in_dim3A_14 = arith.constant 0 : i32
    %broadcast_in_dim3A_15 = vector.broadcast %broadcast_in_dim3A_14 : i32 to vector<1x1024xi32>
    %slice3A_16 = vector.extract_strided_slice %dot_general3A_12 {offsets = [0, 0], sizes = [1, 1024], strides = [1, 1]} : vector<8x1024xf32> to vector<1x1024xf32>
    %gt3A = arith.cmpf ogt, %slice3A_16, %broadcast_in_dim3A_13 : vector<1x1024xf32>
    %select_n3A = arith.select %gt3A, %slice3A_16, %broadcast_in_dim3A_13 : vector<1x1024xi1>, vector<1x1024xf32>
    %jit3A = arith.constant 0 : i32
    %broadcast_in_dim3A_17 = vector.broadcast %jit3A : i32 to vector<1x1024xi32>
    %select_n3A_18 = arith.select %gt3A, %broadcast_in_dim3A_17, %broadcast_in_dim3A_15 : vector<1x1024xi1>, vector<1x1024xi32>
    %slice3A_19 = vector.extract_strided_slice %dot_general3A_12 {offsets = [1, 0], sizes = [1, 1024], strides = [1, 1]} : vector<8x1024xf32> to vector<1x1024xf32>
    %gt3A_20 = arith.cmpf ogt, %slice3A_19, %select_n3A : vector<1x1024xf32>
    %select_n3A_21 = arith.select %gt3A_20, %slice3A_19, %select_n3A : vector<1x1024xi1>, vector<1x1024xf32>
    %jit3A_22 = arith.constant 1 : i32
    %broadcast_in_dim3A_23 = vector.broadcast %jit3A_22 : i32 to vector<1x1024xi32>
    %select_n3A_24 = arith.select %gt3A_20, %broadcast_in_dim3A_23, %select_n3A_18 : vector<1x1024xi1>, vector<1x1024xi32>
    %slice3A_25 = vector.extract_strided_slice %dot_general3A_12 {offsets = [2, 0], sizes = [1, 1024], strides = [1, 1]} : vector<8x1024xf32> to vector<1x1024xf32>
    %gt3A_26 = arith.cmpf ogt, %slice3A_25, %select_n3A_21 : vector<1x1024xf32>
    %select_n3A_27 = arith.select %gt3A_26, %slice3A_25, %select_n3A_21 : vector<1x1024xi1>, vector<1x1024xf32>
    %jit3A_28 = arith.constant 2 : i32
    %broadcast_in_dim3A_29 = vector.broadcast %jit3A_28 : i32 to vector<1x1024xi32>
    %select_n3A_30 = arith.select %gt3A_26, %broadcast_in_dim3A_29, %select_n3A_24 : vector<1x1024xi1>, vector<1x1024xi32>
    %slice3A_31 = vector.extract_strided_slice %dot_general3A_12 {offsets = [3, 0], sizes = [1, 1024], strides = [1, 1]} : vector<8x1024xf32> to vector<1x1024xf32>
    %gt3A_32 = arith.cmpf ogt, %slice3A_31, %select_n3A_27 : vector<1x1024xf32>
    %select_n3A_33 = arith.select %gt3A_32, %slice3A_31, %select_n3A_27 : vector<1x1024xi1>, vector<1x1024xf32>
    %jit3A_34 = arith.constant 3 : i32
    %broadcast_in_dim3A_35 = vector.broadcast %jit3A_34 : i32 to vector<1x1024xi32>
    %select_n3A_36 = arith.select %gt3A_32, %broadcast_in_dim3A_35, %select_n3A_30 : vector<1x1024xi1>, vector<1x1024xi32>
    %slice3A_37 = vector.extract_strided_slice %dot_general3A_12 {offsets = [4, 0], sizes = [1, 1024], strides = [1, 1]} : vector<8x1024xf32> to vector<1x1024xf32>
    %gt3A_38 = arith.cmpf ogt, %slice3A_37, %select_n3A_33 : vector<1x1024xf32>
    %select_n3A_39 = arith.select %gt3A_38, %slice3A_37, %select_n3A_33 : vector<1x1024xi1>, vector<1x1024xf32>
    %jit3A_40 = arith.constant 4 : i32
    %broadcast_in_dim3A_41 = vector.broadcast %jit3A_40 : i32 to vector<1x1024xi32>
    %select_n3A_42 = arith.select %gt3A_38, %broadcast_in_dim3A_41, %select_n3A_36 : vector<1x1024xi1>, vector<1x1024xi32>
    %slice3A_43 = vector.extract_strided_slice %dot_general3A_12 {offsets = [5, 0], sizes = [1, 1024], strides = [1, 1]} : vector<8x1024xf32> to vector<1x1024xf32>
    %gt3A_44 = arith.cmpf ogt, %slice3A_43, %select_n3A_39 : vector<1x1024xf32>
    %select_n3A_45 = arith.select %gt3A_44, %slice3A_43, %select_n3A_39 : vector<1x1024xi1>, vector<1x1024xf32>
    %jit3A_46 = arith.constant 5 : i32
    %broadcast_in_dim3A_47 = vector.broadcast %jit3A_46 : i32 to vector<1x1024xi32>
    %select_n3A_48 = arith.select %gt3A_44, %broadcast_in_dim3A_47, %select_n3A_42 : vector<1x1024xi1>, vector<1x1024xi32>
    %slice3A_49 = vector.extract_strided_slice %dot_general3A_12 {offsets = [6, 0], sizes = [1, 1024], strides = [1, 1]} : vector<8x1024xf32> to vector<1x1024xf32>
    %gt3A_50 = arith.cmpf ogt, %slice3A_49, %select_n3A_45 : vector<1x1024xf32>
    %select_n3A_51 = arith.select %gt3A_50, %slice3A_49, %select_n3A_45 : vector<1x1024xi1>, vector<1x1024xf32>
    %jit3A_52 = arith.constant 6 : i32
    %broadcast_in_dim3A_53 = vector.broadcast %jit3A_52 : i32 to vector<1x1024xi32>
    %select_n3A_54 = arith.select %gt3A_50, %broadcast_in_dim3A_53, %select_n3A_48 : vector<1x1024xi1>, vector<1x1024xi32>
    %slice3A_55 = vector.extract_strided_slice %dot_general3A_12 {offsets = [7, 0], sizes = [1, 1024], strides = [1, 1]} : vector<8x1024xf32> to vector<1x1024xf32>
    %gt3A_56 = arith.cmpf ogt, %slice3A_55, %select_n3A_51 : vector<1x1024xf32>
    %jit3A_57 = arith.constant 7 : i32
    %broadcast_in_dim3A_58 = vector.broadcast %jit3A_57 : i32 to vector<1x1024xi32>
    %select_n3A_59 = arith.select %gt3A_56, %broadcast_in_dim3A_58, %select_n3A_54 : vector<1x1024xi1>, vector<1x1024xi32>
    %dot_general3A_60 = arith.constant dense<0.000000e+00> : vector<128x1024xf32>
    %dot_general3A_61 = tpu.matmul %get3A_7, %concatenate3A, %dot_general3A_60 {dimension_numbers = #tpu.dot_dimension_numbers<[1], [1], [0], [0], [0, 0, 1, 0], [], []>, transpose_lhs_hint = false} : vector<128x128xf32>, vector<1024x128xf32>, vector<128x1024xf32> -> vector<128x1024xf32>
    %logistic3A = arith.negf %dot_general3A_61 : vector<128x1024xf32>
    %logistic3A_62 = math.exp %logistic3A : vector<128x1024xf32>
    %logistic3A_63 = arith.constant 1.000000e+00 : f32
    %logistic3A_64 = vector.broadcast %logistic3A_63 : f32 to vector<128x1024xf32>
    %logistic3A_65 = arith.addf %logistic3A_64, %logistic3A_62 : vector<128x1024xf32>
    %logistic3A_66 = arith.divf %logistic3A_64, %logistic3A_65 : vector<128x1024xf32>
    %lt3A = arith.constant 1.000000e-01 : f32
    %lt3A_67 = vector.broadcast %lt3A : f32 to vector<128x1024xf32>
    %lt3A_68 = arith.cmpf olt, %logistic3A_66, %lt3A_67 : vector<128x1024xf32>
    %jit3A_69 = arith.constant 0.000000e+00 : f32
    %broadcast_in_dim3A_70 = vector.broadcast %jit3A_69 : f32 to vector<128x1024xf32>
    %select_n3A_71 = arith.select %lt3A_68, %broadcast_in_dim3A_70, %logistic3A_66 : vector<128x1024xi1>, vector<128x1024xf32>
    %iota3A = tpu.iota {dimensions = array<i32: 0>} : vector<128x1xi32>
    %jit3A_72 = arith.constant 16 : i32
    %div3A = vector.broadcast %jit3A_72 : i32 to vector<128x1xi32>
    %div3A_73 = arith.divsi %iota3A, %div3A : vector<128x1xi32>
    %sign3A = arith.constant 0 : i32
    %sign3A_74 = vector.broadcast %sign3A : i32 to vector<128x1xi32>
    %sign3A_75 = arith.cmpi sgt, %iota3A, %sign3A_74 : vector<128x1xi32>
    %sign3A_76 = arith.extui %sign3A_75 : vector<128x1xi1> to vector<128x1xi32>
    %sign3A_77 = arith.constant 0 : i32
    %sign3A_78 = vector.broadcast %sign3A_77 : i32 to vector<128x1xi32>
    %sign3A_79 = arith.cmpi slt, %iota3A, %sign3A_78 : vector<128x1xi32>
    %sign3A_80 = arith.extui %sign3A_79 : vector<128x1xi1> to vector<128x1xi32>
    %sign3A_81 = arith.subi %sign3A_76, %sign3A_80 : vector<128x1xi32>
    %sign3A_82 = arith.constant 0 : i32
    %sign3A_83 = arith.cmpi sgt, %jit3A_72, %sign3A_82 : i32
    %sign3A_84 = arith.extui %sign3A_83 : i1 to i32
    %sign3A_85 = arith.constant 0 : i32
    %sign3A_86 = arith.cmpi slt, %jit3A_72, %sign3A_85 : i32
    %sign3A_87 = arith.extui %sign3A_86 : i1 to i32
    %sign3A_88 = arith.subi %sign3A_84, %sign3A_87 : i32
    %ne3A = vector.broadcast %sign3A_88 : i32 to vector<128x1xi32>
    %ne3A_89 = arith.cmpi ne, %sign3A_81, %ne3A : vector<128x1xi32>
    %rem3A = vector.broadcast %jit3A_72 : i32 to vector<128x1xi32>
    %rem3A_90 = arith.remsi %iota3A, %rem3A : vector<128x1xi32>
    %ne3A_91 = arith.constant 0 : i32
    %ne3A_92 = vector.broadcast %ne3A_91 : i32 to vector<128x1xi32>
    %ne3A_93 = arith.cmpi ne, %rem3A_90, %ne3A_92 : vector<128x1xi32>
    %and3A = arith.andi %ne3A_89, %ne3A_93 : vector<128x1xi1>
    %sub3A = arith.constant 1 : i32
    %sub3A_94 = vector.broadcast %sub3A : i32 to vector<128x1xi32>
    %sub3A_95 = arith.subi %div3A_73, %sub3A_94 : vector<128x1xi32>
    %select_n3A_96 = arith.select %and3A, %sub3A_95, %div3A_73 : vector<128x1xi1>, vector<128x1xi32>
    %eq3A = vector.broadcast %select_n3A_96 : vector<128x1xi32> to vector<128x1024xi32>
    %eq3A_97 = vector.broadcast %select_n3A_59 : vector<1x1024xi32> to vector<128x1024xi32>
    %eq3A_98 = arith.cmpi eq, %eq3A, %eq3A_97 : vector<128x1024xi32>
    %jit3A_99 = arith.constant 0.000000e+00 : f32
    %broadcast_in_dim3A_100 = vector.broadcast %jit3A_99 : f32 to vector<128x1024xf32>
    %select_n3A_101 = arith.select %eq3A_98, %select_n3A_71, %broadcast_in_dim3A_100 : vector<128x1024xi1>, vector<128x1024xf32>
    %swap3A = arith.constant 0 : index
    %swap3A_102 = arith.constant 0 : index
    %swap3A_103 = vector.load %arg5[%swap3A, %swap3A_102] : memref<128x1024xf32, #tpu.memory_space<vmem>>, vector<128x1024xf32>
    tpu.vector_store %arg5[%swap3A, %swap3A_102], %select_n3A_101 {strides = array<i32>} : memref<128x1024xf32, #tpu.memory_space<vmem>>, vector<128x1024xf32>,
    %eq3A_104 = arith.constant 0 : i32
    %eq3A_105 = arith.cmpi eq, %arg0, %eq3A_104 : i32
    %convert_element_type3A = arith.extui %eq3A_105 : i1 to i32
    %cond3A = arith.constant 0 : i32
    %cond3A_106 = arith.cmpi ne, %convert_element_type3A, %cond3A : i32
    scf.if %cond3A_106 {
      %dot_general3A_116 = arith.constant dense<0.000000e+00> : vector<128x128xf32>
      %dot_general3A_117 = tpu.matmul %get3A_7, %get3A_7, %dot_general3A_116 {dimension_numbers = #tpu.dot_dimension_numbers<[1], [1], [0], [0], [0, 0, 1, 0], [], []>, transpose_lhs_hint = false} : vector<128x128xf32>, vector<128x128xf32>, vector<128x128xf32> -> vector<128x128xf32>
      %logistic3A_118 = arith.negf %dot_general3A_117 : vector<128x128xf32>
      %logistic3A_119 = math.exp %logistic3A_118 : vector<128x128xf32>
      %logistic3A_120 = arith.constant 1.000000e+00 : f32
      %logistic3A_121 = vector.broadcast %logistic3A_120 : f32 to vector<128x128xf32>
      %logistic3A_122 = arith.addf %logistic3A_121, %logistic3A_119 : vector<128x128xf32>
      %logistic3A_123 = arith.divf %logistic3A_121, %logistic3A_122 : vector<128x128xf32>
      %lt3A_124 = arith.constant 0.00999999977 : f32
      %lt3A_125 = vector.broadcast %lt3A_124 : f32 to vector<128x128xf32>
      %lt3A_126 = arith.cmpf olt, %logistic3A_123, %lt3A_125 : vector<128x128xf32>
      %jit3A_127 = arith.constant 0.000000e+00 : f32
      %broadcast_in_dim3A_128 = vector.broadcast %jit3A_127 : f32 to vector<128x128xf32>
      %select_n3A_129 = arith.select %lt3A_126, %broadcast_in_dim3A_128, %logistic3A_123 : vector<128x128xi1>, vector<128x128xf32>
      %slice3A_130 = vector.extract_strided_slice %select_n3A_129 {offsets = [0, 0], sizes = [16, 16], strides = [1, 1]} : vector<128x128xf32> to vector<16x16xf32>
      %swap3A_131 = arith.constant 0 : index
      %swap3A_132 = arith.constant 0 : index
      %swap3A_133 = vector.load %arg5[%swap3A_131, %swap3A_132] : memref<128x1024xf32, #tpu.memory_space<vmem>>, vector<16x16xf32>
      tpu.vector_store %arg5[%swap3A_131, %swap3A_132], %slice3A_130 {strides = array<i32>} : memref<128x1024xf32, #tpu.memory_space<vmem>>, vector<16x16xf32>,
      %slice3A_134 = vector.extract_strided_slice %select_n3A_129 {offsets = [16, 16], sizes = [16, 16], strides = [1, 1]} : vector<128x128xf32> to vector<16x16xf32>
      %swap3A_135 = arith.constant 16 : index
      %swap3A_136 = arith.constant 0 : index
      %swap3A_137 = vector.load %arg5[%swap3A_135, %swap3A_136] : memref<128x1024xf32, #tpu.memory_space<vmem>>, vector<16x16xf32>
      tpu.vector_store %arg5[%swap3A_135, %swap3A_136], %slice3A_134 {strides = array<i32>} : memref<128x1024xf32, #tpu.memory_space<vmem>>, vector<16x16xf32>,
      %slice3A_138 = vector.extract_strided_slice %select_n3A_129 {offsets = [32, 32], sizes = [16, 16], strides = [1, 1]} : vector<128x128xf32> to vector<16x16xf32>
      %swap3A_139 = arith.constant 32 : index
      %swap3A_140 = arith.constant 0 : index
      %swap3A_141 = vector.load %arg5[%swap3A_139, %swap3A_140] : memref<128x1024xf32, #tpu.memory_space<vmem>>, vector<16x16xf32>
      tpu.vector_store %arg5[%swap3A_139, %swap3A_140], %slice3A_138 {strides = array<i32>} : memref<128x1024xf32, #tpu.memory_space<vmem>>, vector<16x16xf32>,
      %slice3A_142 = vector.extract_strided_slice %select_n3A_129 {offsets = [48, 48], sizes = [16, 16], strides = [1, 1]} : vector<128x128xf32> to vector<16x16xf32>
      %swap3A_143 = arith.constant 48 : index
      %swap3A_144 = arith.constant 0 : index
      %swap3A_145 = vector.load %arg5[%swap3A_143, %swap3A_144] : memref<128x1024xf32, #tpu.memory_space<vmem>>, vector<16x16xf32>
      tpu.vector_store %arg5[%swap3A_143, %swap3A_144], %slice3A_142 {strides = array<i32>} : memref<128x1024xf32, #tpu.memory_space<vmem>>, vector<16x16xf32>,
      %slice3A_146 = vector.extract_strided_slice %select_n3A_129 {offsets = [64, 64], sizes = [16, 16], strides = [1, 1]} : vector<128x128xf32> to vector<16x16xf32>
      %swap3A_147 = arith.constant 64 : index
      %swap3A_148 = arith.constant 0 : index
      %swap3A_149 = vector.load %arg5[%swap3A_147, %swap3A_148] : memref<128x1024xf32, #tpu.memory_space<vmem>>, vector<16x16xf32>
      tpu.vector_store %arg5[%swap3A_147, %swap3A_148], %slice3A_146 {strides = array<i32>} : memref<128x1024xf32, #tpu.memory_space<vmem>>, vector<16x16xf32>,
      %slice3A_150 = vector.extract_strided_slice %select_n3A_129 {offsets = [80, 80], sizes = [16, 16], strides = [1, 1]} : vector<128x128xf32> to vector<16x16xf32>
      %swap3A_151 = arith.constant 80 : index
      %swap3A_152 = arith.constant 0 : index
      %swap3A_153 = vector.load %arg5[%swap3A_151, %swap3A_152] : memref<128x1024xf32, #tpu.memory_space<vmem>>, vector<16x16xf32>
      tpu.vector_store %arg5[%swap3A_151, %swap3A_152], %slice3A_150 {strides = array<i32>} : memref<128x1024xf32, #tpu.memory_space<vmem>>, vector<16x16xf32>,
      %slice3A_154 = vector.extract_strided_slice %select_n3A_129 {offsets = [96, 96], sizes = [16, 16], strides = [1, 1]} : vector<128x128xf32> to vector<16x16xf32>
      %swap3A_155 = arith.constant 96 : index
      %swap3A_156 = arith.constant 0 : index
      %swap3A_157 = vector.load %arg5[%swap3A_155, %swap3A_156] : memref<128x1024xf32, #tpu.memory_space<vmem>>, vector<16x16xf32>
      tpu.vector_store %arg5[%swap3A_155, %swap3A_156], %slice3A_154 {strides = array<i32>} : memref<128x1024xf32, #tpu.memory_space<vmem>>, vector<16x16xf32>,
      %slice3A_158 = vector.extract_strided_slice %select_n3A_129 {offsets = [112, 112], sizes = [16, 16], strides = [1, 1]} : vector<128x128xf32> to vector<16x16xf32>
      %swap3A_159 = arith.constant 112 : index
      %swap3A_160 = arith.constant 0 : index
      %swap3A_161 = vector.load %arg5[%swap3A_159, %swap3A_160] : memref<128x1024xf32, #tpu.memory_space<vmem>>, vector<16x16xf32>
      tpu.vector_store %arg5[%swap3A_159, %swap3A_160], %slice3A_158 {strides = array<i32>} : memref<128x1024xf32, #tpu.memory_space<vmem>>, vector<16x16xf32>,
    } else {
    }
    %eq3A_107 = arith.constant 0 : i32
    %eq3A_108 = arith.cmpi eq, %arg0, %eq3A_107 : i32
    %slice3A_109 = vector.extract_strided_slice %get3A_1 {offsets = [896, 0], sizes = [128, 128], strides = [1, 1]} : vector<1024x128xf32> to vector<128x128xf32>
    %select_n3A_110 = arith.select %eq3A_108, %get3A_7, %slice3A_109 : vector<128x128xf32>
    %slice3A_111 = vector.extract_strided_slice %get3A_4 {offsets = [0, 0], sizes = [896, 128], strides = [1, 1]} : vector<1024x128xf32> to vector<896x128xf32>
    %concatenate3A_112 = tpu.concatenate %select_n3A_110, %slice3A_111 in 0 : vector<128x128xf32>, vector<896x128xf32> -> vector<1024x128xf32>
    %swap3A_113 = arith.constant 0 : index
    %swap3A_114 = arith.constant 0 : index
    %swap3A_115 = vector.load %arg6[%swap3A_113, %swap3A_114] : memref<1024x128xf32, #tpu.memory_space<vmem>>, vector<1024x128xf32>
    tpu.vector_store %arg6[%swap3A_113, %swap3A_114], %concatenate3A_112 {strides = array<i32>} : memref<1024x128xf32, #tpu.memory_space<vmem>>, vector<1024x128xf32>,
    return
  }
  func.func @transform_0(%arg0: i32) -> (i32, i32) {
    %eq3A = arith.constant 0 : i32
    %eq3A_0 = arith.cmpi eq, %arg0, %eq3A : i32
    %sub3A = arith.constant 1 : i32
    %sub3A_1 = arith.subi %arg0, %sub3A : i32
    %jit3A = arith.constant 0 : i32
    %select_n3A = arith.select %eq3A_0, %jit3A, %sub3A_1 : i32
    %c0_i32 = arith.constant 0 : i32
    %c0_i32_2 = arith.constant 0 : i32
    return %select_n3A, %c0_i32 : i32, i32
  }
  func.func @transform_1(%arg0: i32) -> (i32, i32) {
    %c0_i32 = arith.constant 0 : i32
    %c0_i32_0 = arith.constant 0 : i32
    return %arg0, %c0_i32 : i32, i32
  }
  func.func @transform_2(%arg0: i32) -> (i32, i32) {
    %c0_i32 = arith.constant 0 : i32
    %c0_i32_0 = arith.constant 0 : i32
    %c0_i32_1 = arith.constant 0 : i32
    return %c0_i32, %c0_i32_0 : i32, i32
  }
  func.func @transform_3(%arg0: i32) -> (i32, i32) {
    %c0_i32 = arith.constant 0 : i32
    %c0_i32_0 = arith.constant 0 : i32
    %c0_i32_1 = arith.constant 0 : i32
    return %c0_i32, %c0_i32_0 : i32, i32
  }
  func.func @transform_4(%arg0: i32) -> (i32, i32) {
    %c0_i32 = arith.constant 0 : i32
    %c0_i32_0 = arith.constant 0 : i32
    return %c0_i32, %arg0 : i32, i32
  }
  func.func @transform_5(%arg0: i32) -> (i32, i32) {
    %c0_i32 = arith.constant 0 : i32
    %c0_i32_0 = arith.constant 0 : i32
    return %arg0, %c0_i32 : i32, i32
  }
}

</mosaic_0001>

<sc_bundles>
// kernel: kernel.4.cloned.1.call-start
scs
__scs_entry_jumppad:
0x0: {  	(pc) =	sbr.rel $0x88, $3  }
0x1: {  	(tag) =	ssettag $0x0;
	lr =	simm.s32 $0x1  }
0x2: {  	[smem:$0x3F9D] =	sst lr;
	_ =	strace $0xD0000000  }
0x3: {  	_ = 	snop  }
0x4: {  	_ = 	snop  }
0x5: {  	_ = 	snop  }
0x6: {  	_ = 	snop  }
0x7: {  	_ = 	snop  }
__scs_overlays_trampoline_lowered:
0x8: {  	[smem:$0x3FAC] =	sst s0  }
0x9: {  	[smem:$0x3FAD] =	sst s1  }
0xa: {  	[smem:$0x3FAE] =	sst s2  }
0xb: {  	[smem:$0x3FAF] =	sst s3  }
0xc: {  	[smem:$0x3FB0] =	sst s4  }
0xd: {  	[smem:$0x3FB1] =	sst s5  }
0xe: {  	[smem:$0x3FB2] =	sst s6  }
0xf: {  	[smem:$0x3FB3] =	sst s7  }
0x10: {  	[smem:$0x3FB4] =	sst s8  }
0x11: {  	[smem:$0x3FB5] =	sst s9;
	s0 =	simm.s32 @!p0 $0x0  }
0x12: {  	s1 =	sld [smem:$0x3F9B];
	s0 =	simm.s32 @p0 $0x1  }
0x13: {  	[smem:$0x3FB6] =	sst s0;
	s0 =	simm.s32 @!p1 $0x0  }
0x14: {  	s2 =	sld [smem:$0x3F9A];
	s0 =	simm.s32 @p1 $0x1  }
0x15: {  	[smem:$0x3FB7] =	sst s0;
	s0 =	simm.s32 @!p2 $0x0  }
0x16: {  	s3 =	sld [smem:$0x3FDB];
	s0 =	simm.s32 @p2 $0x1  }
0x17: {  	s4 =	simm.s32 $0x1BF5;
	[smem:$0x3FB9] =	sst s0  }
0x18: {  	s0 =	sld [smem:$0x3F9C];
	_ =	swait.ge [sflag:s4], $0x0  }
0x19: {  	s7 =	sld [smem:$0x3F9D]  }
0x1a: {  	s8 =	sadd.s32 $0xFFFFE003, lr  }
0x1b: {  	s9 =	sadd.s32 $0xFFFFFEF7, lr;
	s5 =	simm.s32 $0xFFFFFFFF;
	p2 =	slt.u32 s8, $0xFFFFF086  }
0x1c: {  	p1 =	slt.u32 s9, $0xF7A;
	s5 =	simm.s32 @!p2 $0x0  }
0x1d: {  	s5 =	simm.s32 @p1 $0x1;
	p0 =	seq.s32 s7, s2  }
0x1e: {  	s7 =	smul.u32 @!p0 $0xF7A, s2;
	p2 =	seq.s32 @!p0 s5, $0x0  }
0x1f: {  	s9 =	smul.u32 $0xF7A, s1;
	s8 =	simm.s32 @!p0 $0x1BF5;
	p2 =	por !p2, p0  }
0x20: {  	[sflag:s8] =	ssyncset.s32 @!p0 $0xFFFFF086;
	s6 =	sadd.s32 @!p0 s3, s7;
	s7 =	simm.s32 @!p0 $0x108  }
0x21: {  	s3 =	sadd.s32 s3, s9;
	s6 =	sadd.s32 @!p0 $0x88, s6;
	s7 =	simm.s32 @p2 $0x1082  }
0x22: {  	[simem:s7], [sflag:s8] =	dma.local @!p0 [hbm:s6], $0xF7A  }
0x23: {  	s9 =	sor.u32 $0xD0000000, s2;
	s6 =	simm.s32 $0x108;
	_ =	swait.ge @!p0 [sflag:s8], $0x0  }
0x24: {  	s3 =	sadd.s32 $0x88, s3;
	s6 =	simm.s32 @!p1 $0x1082;
	[sflag:s4] =	ssyncset.s32 $0xFFFFF086  }
0x25: {  	[simem:s6], [sflag:s4] =	dma.local [hbm:s3], $0xF7A  }
0x26: {  	[smem:$0x3F9D] =	sst s1;
	(tag) =	ssettag s2;
	_ =	strace s9  }
0x27: {  	s1 =	sld [smem:$0x3FAD]  }
0x28: {  	s2 =	sld [smem:$0x3FAE]  }
0x29: {  	s4 =	sld [smem:$0x3FB0]  }
0x2a: {  	p0 =	seq.s32 s5, $0x0;
	s5 =	sld [smem:$0x3FB1]  }
0x2b: {  	s6 =	sld [smem:$0x3FB2]  }
0x2c: {  	s7 =	sld [smem:$0x3FB3]  }
0x2d: {  	s3 =	simm.s32 $0x108;
	s8 =	sld [smem:$0x3FB4]  }
0x2e: {  	s3 =	simm.s32 @!p0 $0x1082;
	s9 =	sld [smem:$0x3FB5]  }
0x2f: {  	lr =	sadd.s32 s0, s3;
	s0 =	sld [smem:$0x3FAC]  }
0x30: {  	s3 =	sld [smem:$0x3FAF]  }
0x31: {  	[smem:$0x3FB8] =	sst s10  }
0x32: {  	s10 =	sld [smem:$0x3FB6];
	_ =	sdelay $0x3  }
0x33: {  	p0 =	seq.s32 s10, $0x1;
	s10 =	sld [smem:$0x3FB8];
	_ =	sdelay $0x3  }
0x34: {  	[smem:$0x3FB8] =	sst s10  }
0x35: {  	s10 =	sld [smem:$0x3FB7];
	_ =	sdelay $0x3  }
0x36: {  	p1 =	seq.s32 s10, $0x1;
	s10 =	sld [smem:$0x3FB8];
	_ =	sdelay $0x3  }
0x37: {  	[smem:$0x3FB8] =	sst s10  }
0x38: {  	s10 =	sld [smem:$0x3FB9]  }
0x39: {  	_ = 	snop;
	(pc) =	sbr.ind lr, $3  }
0x3a: {  	_ = 	snop  }
0x3b: {  	_ = 	snop  }
0x3c: {  	p2 =	seq.s32 s10, $0x1;
	s10 =	sld [smem:$0x3FB8]  }
0x3d: {  	_ =	shalt  }
0x3e: {  	_ =	shalt  }
0x3f: {  	_ =	shalt  }
0x40: {  	_ =	shalt  }
0x41: {  	_ =	shalt  }
0x42: {  	_ =	shalt  }
0x43: {  	_ =	shalt  }
0x44: {  	_ =	shalt  }
0x45: {  	_ =	shalt  }
0x46: {  	_ =	shalt  }
0x47: {  	_ =	shalt  }
0x48: {  	_ =	shalt  }
0x49: {  	_ =	shalt  }
0x4a: {  	_ =	shalt  }
0x4b: {  	_ =	shalt  }
0x4c: {  	_ =	shalt  }
0x4d: {  	_ =	shalt  }
0x4e: {  	_ =	shalt  }
0x4f: {  	_ =	shalt  }
0x50: {  	_ =	shalt  }
0x51: {  	_ =	shalt  }
0x52: {  	_ =	shalt  }
0x53: {  	_ =	shalt  }
0x54: {  	_ =	shalt  }
0x55: {  	_ =	shalt  }
0x56: {  	_ =	shalt  }
0x57: {  	_ =	shalt  }
0x58: {  	_ =	shalt  }
0x59: {  	_ =	shalt  }
0x5a: {  	_ =	shalt  }
0x5b: {  	_ =	shalt  }
0x5c: {  	_ =	shalt  }
0x5d: {  	_ =	shalt  }
0x5e: {  	_ =	shalt  }
0x5f: {  	_ =	shalt  }
0x60: {  	_ =	shalt  }
0x61: {  	_ =	shalt  }
0x62: {  	_ =	shalt  }
0x63: {  	_ =	shalt  }
0x64: {  	_ =	shalt  }
0x65: {  	_ =	shalt  }
0x66: {  	_ =	shalt  }
0x67: {  	_ =	shalt  }
0x68: {  	_ =	shalt  }
0x69: {  	_ =	shalt  }
0x6a: {  	_ =	shalt  }
0x6b: {  	_ =	shalt  }
0x6c: {  	_ =	shalt  }
0x6d: {  	_ =	shalt  }
0x6e: {  	_ =	shalt  }
0x6f: {  	_ =	shalt  }
0x70: {  	_ =	shalt  }
0x71: {  	_ =	shalt  }
0x72: {  	_ =	shalt  }
0x73: {  	_ =	shalt  }
0x74: {  	_ =	shalt  }
0x75: {  	_ =	shalt  }
0x76: {  	_ =	shalt  }
0x77: {  	_ =	shalt  }
0x78: {  	_ =	shalt  }
0x79: {  	_ =	shalt  }
0x7a: {  	_ =	shalt  }
0x7b: {  	_ =	shalt  }
0x7c: {  	_ =	shalt  }
0x7d: {  	_ =	shalt  }
0x7e: {  	_ =	shalt  }
0x7f: {  	_ =	shalt  }
0x80: {  	_ =	shalt  }
0x81: {  	_ =	shalt  }
0x82: {  	_ =	shalt  }
0x83: {  	_ =	shalt  }
0x84: {  	_ =	shalt  }
0x85: {  	_ =	shalt  }
0x86: {  	_ =	shalt  }
0x87: {  	_ =	shalt  }
.Lfunc_end0:
.L_simem_size_0:
called_computation_lowered:
.L_overlay_start_0:
0x88: {  	s2 =	sld [smem:$0x3FD9]  }
0x89: {  	s3 =	sld [smem:$0x3FFE];
	_ =	sdelay $0x1  }
0x8a: {  	s1 =	srdreg.scid  }
0x8b: {  	s0 =	sand.u32 $0x1, s1  }
0x8c: {  	s14 =	sshll.u32 s0, $0xA;
	s2 =	sadd.s32 s3, s2  }
0x8d: {  	s2 =	sadd.s32 s2, s14  }
0x8e: {  	[smem:$0x3FC4] =	sst s2  }
0x8f: {  	_ = 	snop  }
0x90: {  	s2 =	sld [smem:$0x3FD0];
	_ =	sdelay $0x2  }
0x91: {  	s15 =	simm.s32 $0xA;
	s4 =	simm.s32 $0x10  }
0x92: {  	[smem:s4], [sflag:s15] =	dma.local [hbm:s2], $0x1  }
0x93: {  	_ =	swait.eq [sflag:s15], $0x1  }
0x94: {  	[sflag:s15] =	ssyncset.done $0x0  }
0x95: {  	[sflag:s15] =	ssyncadd.s32 $0xFFFFFFFF  }
0x96: {  	s16 =	sld [smem:$0x12];
	(tm) =	ssettm $0x1  }
0x97: {  	s17 =	sld [smem:$0x3FFB];
	_ =	sdelay $0x3  }
0x98: {  	_ =	strace s17  }
0x99: {  	s3 =	sld [smem:$0x3FFC];
	_ =	sdelay $0x3  }
0x9a: {  	_ =	strace s3  }
0x9b: {  	s3 =	sld [smem:$0x3FFD];
	_ =	sdelay $0x3  }
0x9c: {  	_ =	strace s3  }
0x9d: {  	_ =	strace $0x8FFFFFFF  }
0x9e: {  	s18 =	sld [smem:$0x3FDB];
	_ =	sdelay $0x1  }
0x9f: {  	s19 =	simm.s32 $_scs_section_size  }
0xa0: {  	s5 =	simm.s32 $_size__tile_overlayer_lowered;
	s6 =	simm.s32 $_tile_overlayer_lowered  }
0xa1: {  	s22 =	simm.s32 $0x1BFF;
	s21 =	sshll.u32 s6, $0x1;
	s3 =	sadd.s32 s19, s18  }
0xa2: {  	s7 =	simm.s32 $0x0;
	s20 =	sshll.u32 s5, $0x1;
	s5 =	sadd.s32 s21, s3  }
0xa3: {  	[timem:s7], [sflag:s22] =	dma.local [hbm:s5], s20  }
0xa4: {  	_ =	swait.ge [sflag:s22], s20  }
0xa5: {  	s4 =	ssub.s32 $0x0, s20;
	[sflag:s22] =	ssyncset.done $0x0  }
0xa6: {  	[sflag:s22] =	ssyncadd.s32 s4;
	_ =	sdelay $0x1  }
0xa7: {  	s23 =	simm.s32 $0x1B8B  }
0xa8: {  	_ =	swait.ge [sflag:s23], $0x1  }
0xa9: {  	[sflag:s23] =	ssyncset.done $0x0  }
0xaa: {  	s25 =	simm.s32 $0x1B8E;
	s24 =	sld [smem:$0x3FFE];
	[sflag:s23] =	ssyncadd.s32 $0xFFFFFFFF  }
0xab: {  	s26 =	simm.s32 $execute0_lowered;
	[smem:$0x3FD2] =	sst s25  }
0xac: {  	s5 =	sshll.u32 s26, $0x1;
	_ =	strace $0x80000046;
	[dreg:$0x1] =	wrdreg $0xFFFFFFFF  }
0xad: {  	s28 =	simm.s32 $_size_execute0_lowered;
	s3 =	sadd.s32 s3, s5;
	[dreg:$0x0] =	wrdreg $0x0  }
0xae: {  	s5 =	sshll.u32 s28, $0x1;
	[dreg:$0x2] =	wrdreg s3  }
0xaf: {  	[dreg:$0x3] =	wrdreg s5  }
0xb0: {  	[dreg:$0x4] =	wrdreg $0xC0  }
0xb1: {  	_ =	task [dreg:s7], $0x5FFFF  }
0xb2: {  	[dreg:$0x1] =	wrdreg $0xFFFFFFFF  }
0xb3: {  	[dreg:$0x0] =	wrdreg $0x60  }
0xb4: {  	[dreg:$0x2] =	wrdreg s16  }
0xb5: {  	[dreg:$0x3] =	wrdreg s24  }
0xb6: {  	[dreg:$0x4] =	wrdreg $0x9  }
0xb7: {  	_ =	task.clear_ibuf [dreg:s7], $0x5FFFF;
	_ =	strace $0x90000046  }
0xb8: {  	s29 =	simm.s32 $0x9;
	_ =	strace $0x8000004F  }
0xb9: {  	_ =	swait.ge [sflag:s29], $0x1  }
0xba: {  	[sflag:s29] =	ssyncadd.s32 $0xFFFFFFFF  }
0xbb: {  	_ =	strace $0x9000004F  }
0xbc: {  	_ =	sfence  }
0xbd: {  	s30 =	sld [smem:$0x0];
	_ =	sdelay $0x2  }
0xbe: {  	s31 =	sshll.u32 s1, $0xD;
	s1 =	sshrl.u32 s1, $0x2  }
0xbf: {  	s3 =	sand.u32 $0x4000, s31;
	s1 =	sadd.s32 s1, s30  }
0xc0: {  	s0 =	sor.u32 s3, s0;
	s1 =	sshll.u32 s1, $0x11  }
0xc1: {  	s0 =	sor.u32 s1, s0  }
0xc2: {  	s0 =	sadd.s32 $0x8F2B, s0  }
0xc3: {  	[sflag:s0] =	ssyncadd.remote.s32 $0x1  }
0xc4: {  	_ =	sfence.sel $0xFFFF  }
0xc5: {  	[dreg:$0x0] =	wrdreg $0xFFFFFFFF;
	(pc) =	sbr.abs _section_cstart, $3  }
0xc6: {  	[dreg:$0x1] =	wrdreg $0xFFFFFFFF  }
0xc7: {  	_ =	task.clear_ibuf [dreg:s7], $0x2FFFF;
	_ =	strace $0x9FFFFFFF  }
0xc8: {  	(tm) =	ssettm $0x7FFFFFFF  }
0xc9: {  	_ =	shalt  }
tec
execute0_lowered:
.L_overlay_start_1:
0x0: {  	(tag) =	ssettag $0x1  }
0x1: {  	s0 =	srdreg.scid  }
0x2: {  	s5 =	sand.u32 $0x1, s0  }
0x3: {  	s0 =	stileid.u32;
	s1 =	sshll.u32 s5, $0x4  }
0x4: {  	s2 =	rddreg [dreg:$0x0];
	s4 =	sor.u32 s0, s1  }
0x5: {  	s6 =	rddreg [dreg:$0x1];
	s3 =	simm.s32 $0x0;
	s7 =	smul.u32 $0x3, s4  }
0x6: {  	s10 =	simm.s32 $0x0;
	[smem:$0x7FF] =	sst s3;
	s31 =	ssub.s32 $0x2, s5  }
0x7: {  	p0 =	slt.u32 s4, $0x1D;
	s8 =	sshll.u32 s4, $0x2;
	s4 =	sadd.s32 $0x1D, s7  }
0x8: {  	s5 =	sadd.s32 $0x1200, s6;
	s6 =	simm.s32 $0x4;
	s4 =	smov.u32 @p0 s8  }
0x9: {  	s1 =	rddreg [dreg:$0x2];
	s9 =	sshrl.u32 s31, $0x1;
	s8 =	smul.u32 $0x280, s4  }
0xa: {  	_ =	strace $0x80000047;
	s9 =	ssub.s32 s31, s9;
	s6 =	simm.s32 @!p0 $0x3  }
0xb: {  	s9 =	smax.u32 s9, $0x1;
	s7 =	sadd.s32 s2, s8;
	s8 =	sadd.s32 $0xFFFFFFFF, s6  }
.LBB2_1:
0xc: {  	_ =	strace $0x80000048;
	s12 =	simm.s32 $0x0  }
0xd: {  	s11 =	simm.s32 $0x0;
	s13 =	simm.s32 $0x0;
	s14 =	simm.s32 $0x0  }
0xe: {  	[tilespmem:s3], [sflag:$0x1] =	stream.linear.gather [hbm4b:s7+s3], $0x1400, $0x200038;
	[tilespmem:$0x5000] =	vst v63  }
0xf: {  	s15 =	simm.s32 $0x1;
	s16 =	simm.s32 $0x0;
	_ =	strace $0x90000048  }
.LBB2_2:
0x10: {  	s18 =	smov.u32 s12;
	s12 =	sadd.s32 $0x1, s12  }
0x11: {  	p0 =	seq.s32 s12, s6  }
0x12: {  	s12 =	simm.s32 @p0 $0x0  }
0x13: {  	p6 =	slt.s32 s16, s8;
	p1 =	sne.s32 s18, s12  }
0x14: {  	p0 =	por !p6, !p1  }
0x15: {  	p0 =	por !p0, !p0  }
0x16: {  	s20 =	sadd.s32 @p0 s4, s12  }
0x17: {  	s17 =	sand.u32 @p0 $0x1, s15;
	s20 =	smul.u32 @p0 $0x1400, s20  }
0x18: {  	s19 =	smul.u32 @p0 $0x5000, s17  }
0x19: {  	_ =	strace @p0 $0x80000049;
	s21 =	simm.s32 @p0 $0x0;
	s20 =	sshrl.u32 @p0 s20, $0x3  }
0x1a: {  	s17 =	sadd.s32 @p0 $0x1, s17;
	s19 =	sshrl.u32 @p0 s19, $0x2;
	s20 =	sadd.s32 @p0 s2, s20  }
0x1b: {  	[tilespmem:s19], [sflag:s17] =	stream.linear.gather @p0 [hbm4b:s20+s21], $0x1400, $0x200038;
	[tilespmem:$0x5000] =	vst v63  }
0x1c: {  	s28 =	sand.u32 $0x1, s14;
	_ =	strace @p0 $0x90000049  }
0x1d: {  	s29 =	sadd.s32 $0x1, s28;
	_ =	strace $0x8000004A  }
0x1e: {  	_ =	swait.ge [sflag:s29], $0x1400  }
0x1f: {  	[sflag:s29] =	ssyncset.done $0x0  }
0x20: {  	[sflag:s29] =	ssyncadd.s32 $0xFFFFEC00  }
0x21: {  	s22 =	simm.s32 $0x1440;
	p2 =	seq.s32 s28, $0x1;
	_ =	strace $0x9000004A  }
0x22: {  	s22 =	simm.s32 @!p2 $0x40;
	_ =	strace $0x8000004B  }
0x23: {  	v3 =	vld [tilespmem:s22+$0x30]  }
0x24: {  	s17 =	sand.u32 $0x1, s13;
	v4 =	vld [tilespmem:s22+$0xFFFFFFD0]  }
0x25: {  	s30 =	smul.u32 $0x5000, s17;
	v5 =	vld [tilespmem:s22+$0xFFFFFFE0]  }
0x26: {  	v2 =	vld [tilespmem:s22+$0xFFFFFFF0]  }
0x27: {  	s31 =	sshrl.u32 s30, $0x2;
	v0 =	vld [tilespmem:s22+$0x0]  }
0x28: {  	s19 =	sadd.s32 $0x2840, s31;
	v1 =	vld [tilespmem:s22+$0x10];
	v6 =	vadd.s32 $0x80, v3  }
0x29: {  	s20 =	sadd.s32 s4, s18;
	v7 =	vadd.s32 $0x80, v4;
	v3 =	vld [tilespmem:s22+$0x20];
	[tilespmem:s19+$0x30] =	vst v6  }
0x2a: {  	s21 =	simm.s32 $0x0;
	s18 =	sadd.s32 $0x2800, s31;
	v4 =	vld [tilespmem:s22+$0xFFFFFFC0];
	v5 =	vadd.s32 $0x80, v5;
	s22 =	sadd.s32 $0x80, s22;
	[tilespmem:s19+$0xFFFFFFD0] =	vst v7  }
.LBB2_3:
0x2b: {  	v6 =	vld [tilespmem:s22+$0x30];
	s21 =	sadd.s32 $0x80, s21;
	[tilespmem:s19+$0xFFFFFFE0] =	vst v5;
	v2 =	vadd.s32 $0x80, v2  }
0x2c: {  	v5 =	vld [tilespmem:s22+$0xFFFFFFD0];
	p2 =	slt.u32 s21, $0x1380;
	[tilespmem:s19+$0xFFFFFFF0] =	vst v2;
	v0 =	vadd.s32 $0x80, v0  }
0x2d: {  	v7 =	vld [tilespmem:s22+$0xFFFFFFE0];
	[tilespmem:s19+$0x0] =	vst v0;
	v0 =	vadd.s32 $0x80, v1  }
.Ltmp0:
0x2e: {  	v2 =	vld [tilespmem:s22+$0xFFFFFFF0];
	[tilespmem:s19+$0x10] =	vst v0;
	v1 =	vadd.s32 $0x80, v3;
	(pc) =	sbr.rel @p2 .LBB2_3-.Ltmp0, $4  }
0x2f: {  	v0 =	vld [tilespmem:s22+$0x0];
	v3 =	vadd.s32 $0x80, v4;
	[tilespmem:s19+$0x20] =	vst v1  }
0x30: {  	v1 =	vld [tilespmem:s22+$0x10];
	v4 =	vadd.s32 $0x80, v6;
	[tilespmem:s19+$0xFFFFFFC0] =	vst v3;
	s19 =	sadd.s32 $0x80, s19  }
0x31: {  	v5 =	vadd.s32 $0x80, v5;
	v3 =	vld [tilespmem:s22+$0x20];
	[tilespmem:s19+$0x30] =	vst v4  }
0x32: {  	v4 =	vld [tilespmem:s22+$0xFFFFFFC0];
	[tilespmem:s19+$0xFFFFFFD0] =	vst v5;
	v5 =	vadd.s32 $0x80, v7;
	s22 =	sadd.s32 $0x80, s22  }
0x33: {  	[tilespmem:s19+$0xFFFFFFE0] =	vst v5;
	v2 =	vadd.s32 $0x80, v2  }
0x34: {  	[tilespmem:s19+$0xFFFFFFF0] =	vst v2;
	v0 =	vadd.s32 $0x80, v0  }
0x35: {  	[tilespmem:s19+$0x0] =	vst v0;
	v61 =	vadd.s32 $0x80, v1  }
0x36: {  	p2 =	seq.s32 s16, s8;
	[tilespmem:s19+$0x10] =	vst v61;
	v62 =	vadd.s32 $0x80, v3  }
0x37: {  	p1 =	por p2, p1;
	v63 =	vadd.s32 $0x80, v4;
	[tilespmem:s19+$0x20] =	vst v62  }
0x38: {  	[tilespmem:s19+$0xFFFFFFC0] =	vst v63;
	s19 =	smul.u32 @p1 $0x1400, s20;
	_ =	sdelay $0x1  }
0x39: {  	s17 =	sadd.s32 @p1 $0x3, s17;
	_ =	strace $0x9000004B;
	s19 =	sshrl.u32 @p1 s19, $0x3  }
0x3a: {  	s20 =	simm.s32 @p1 $0x0;
	_ =	strace @p1 $0x8000004C;
	s19 =	sadd.s32 @p1 s5, s19  }
0x3b: {  	[hbm4b:s19+s20] =	stream.linear.scatter @p1 [tilespmem:s18], [sflag:s17], $0x1400, $0x200038;
	[tilespmem:$0x5000] =	vst v63  }
0x3c: {  	s17 =	simm.s32 $0x1  }
0x3d: {  	s19 =	simm.s32 $0x1;
	s17 =	simm.s32 @!p0 $0x0;
	p0 =	seq.s32 s16, $0x0  }
0x3e: {  	_ =	strace @p1 $0x9000004C;
	s15 =	sadd.s32 s17, s15;
	s17 =	simm.s32 $0x1  }
0x3f: {  	s17 =	simm.s32 @!p1 $0x0;
	p1 =	sne.s32 s16, $0x0;
	s16 =	sadd.s32 $0x1, s16  }
0x40: {  	s18 =	sand.u32 @!p0 $0x1, s11;
	s19 =	simm.s32 @!p1 $0x0;
	p1 =	sne.s32 s16, s6  }
.Ltmp1:
0x41: {  	_ =	strace @!p0 $0x8000004D;
	s18 =	sadd.s32 @!p0 $0x3, s18;
	(pc) =	sbr.rel @p1 .LBB2_2-.Ltmp1, $4  }
0x42: {  	_ =	swait.ge @!p0 [sflag:s18], $0x1400  }
0x43: {  	[sflag:s18] =	ssyncset.done @!p0 $0x0  }
0x44: {  	s13 =	sadd.s32 s17, s13;
	[sflag:s18] =	ssyncadd.s32 @!p0 $0xFFFFEC00  }
0x45: {  	s14 =	sadd.s32 s17, s14;
	s11 =	sadd.s32 s19, s11;
	_ =	strace @!p0 $0x9000004D  }
0x46: {  	s10 =	sadd.s32 $0x1, s10  }
0x47: {  	s11 =	sand.u32 $0x1, s11;
	p0 =	sne.s32 s10, s9  }
.Ltmp2:
0x48: {  	_ =	strace $0x8000004E;
	s11 =	sadd.s32 $0x3, s11;
	(pc) =	sbr.rel @p0 .LBB2_1-.Ltmp2, $4  }
0x49: {  	_ =	swait.ge [sflag:s11], $0x1400  }
0x4a: {  	[sflag:s11] =	ssyncset.done $0x0  }
0x4b: {  	[sflag:s11] =	ssyncadd.s32 $0xFFFFEC00  }
0x4c: {  	_ =	strace $0x9000004E  }
0x4d: {  	_ =	sfence.sel $0x180000  }
0x4e: {  	[bflag:$0x0] =	sbarrier.arrive $0xFFFF  }
0x4f: {  	p0 =	sne.s32 s0, $0x0;
	_ =	strace $0x90000047  }
0x50: {  	s0 =	sadd.s32 @!p0 $0x100000, s1;
	[bflag:$0x2] =	sbarrier.arrive $0xFFFF  }
0x51: {  	[sflag:s0] =	ssyncadd.tile.s32 @!p0 $0x1;
	_ =	shalt  }
.Lfunc_end2:
_tile_overlayer_lowered:
.L_overlay_start_2:
0x52: {  	(tag) =	ssettag $0x2  }
0x53: {  	s0 =	rddreg [dreg:$0x0];
	s2 =	stileid.u32  }
0x54: {  	s1 =	rddreg [dreg:$0x1];
	p0 =	sne.s32 s2, $0x0  }
0x55: {  	s3 =	rddreg [dreg:$0x2];
	[bflag:$0x3] =	sbarrier.arrive $0xFFFF;
	s2 =	simm.s32 @!p0 $0x1C01  }
0x56: {  	[timem:s3], [sflag:s2] =	dma.local @!p0 [hbm:s0], s1  }
0x57: {  	s0 =	simm.s32 @!p0 $0x1  }
0x58: {  	_ =	swait.ge @!p0 [sflag:s0], s1  }
0x59: {  	s1 =	ssub.s32 @!p0 $0x0, s1;
	[sflag:s0] =	ssyncset.done @!p0 $0x0  }
0x5a: {  	[sflag:s0] =	ssyncadd.s32 @!p0 s1  }
0x5b: {  	[bflag:$0x3] =	sbarrier.arrive $0xFFFF  }
0x5c: {  	_ =	shalt  }

</sc_bundles>
